<compile_context>
chip_gen: v7x
topology: tpu7x:2x2x1
jax: 0.10.2.dev20260603
libtpu: 0.0.44.dev20260713+nightly
codegen_flags: <defaults>
</compile_context>

<pallas_src>
import functools

import jax
import jax.numpy as jnp
from jax import lax
from jax.experimental import pallas as pl
from jax.experimental.pallas import tpu as pltpu
from jax.experimental.pallas import tpu_sc as plsc

_NE = 8
_TOPK = 2
_BI = 1024
_HB = _BI // 2
_LANES = 16



def _gate_body(x_ref, gw_ref, lg_ref):
    logits = jax.lax.dot_general(
        gw_ref[...], x_ref[...], (((1,), (1,)), ((), ())),
        preferred_element_type=jnp.float32)
    lg_ref[...] = 30.0 * jnp.tanh(logits * (1.0 / 30.0))


def _gate_logits(x, gate_w):
    t, hd = x.shape
    ne = gate_w.shape[0]
    return pl.pallas_call(
        _gate_body,
        out_shape=jax.ShapeDtypeStruct((ne, t), jnp.float32),
    )(x, gate_w)



def _sc_router_body(lg_hbm, cw_hbm, lg_v, cw_v, sem):
    wid = lax.axis_index("s") * 2 + lax.axis_index("c")
    nchunks = 128 // _LANES

    @pl.when(wid < nchunks)
    def _():
        base = wid * _LANES
        for e in range(_NE):
            pltpu.sync_copy(lg_hbm.at[e, pl.ds(base, _LANES)],
                            lg_v.at[e, :])
        lg = [lg_v[e, :] for e in range(_NE)]
        m = lg[0]
        for e in range(1, _NE):
            m = jnp.maximum(m, lg[e])
        ex = [jnp.exp(lg[e] - m) for e in range(_NE)]
        s = ex[0]
        for e in range(1, _NE):
            s = s + ex[e]
        p = [ex[e] / s for e in range(_NE)]
        zero = jnp.zeros((_LANES,), jnp.int32)
        one = jnp.ones((_LANES,), jnp.int32)
        idx0 = lax.iota(jnp.int32, _LANES)
        for e in range(_NE):
            rank = zero
            for j in range(_NE):
                if j == e:
                    continue
                gt = jnp.where(p[j] > p[e], one, zero)
                if j < e:
                    gt = jnp.where(p[j] == p[e], one, gt)
                rank = rank + gt
            cw_e = jnp.where(rank < _TOPK, p[e], 0.0)
            plsc.store_scatter(cw_v, [idx0 * _NE + e], cw_e)
        pltpu.sync_copy(cw_v, cw_hbm.at[pl.ds(base * _NE, _LANES * _NE)])


def _sc_router(logits_t):
    mesh = plsc.VectorSubcoreMesh(core_axis_name="c", subcore_axis_name="s")
    t = logits_t.shape[1]
    run = pl.kernel(
        _sc_router_body,
        mesh=mesh,
        compiler_params=pltpu.CompilerParams(needs_layout_passes=False),
        cost_estimate=pl.CostEstimate(
            flops=200_000_000, transcendentals=1_000_000,
            bytes_accessed=8_192),
        out_type=jax.ShapeDtypeStruct((t * _NE,), jnp.float32),
        scratch_types=[
            pltpu.VMEM((_NE, _LANES), jnp.float32),
            pltpu.VMEM((_LANES * _NE,), jnp.float32),
            pltpu.SemaphoreType.DMA,
        ],
    )
    return run(logits_t).reshape(t, _NE)



def _moe_body(x_ref, w1a_ref, w1b_ref, w3a_ref, w3b_ref,
              w2a_ref, w2b_ref, y_ref):
    i = pl.program_id(1)

    x = x_ref[...].astype(jnp.bfloat16)
    cd = (((1,), (1,)), ((), ()))
    ha = jax.lax.dot_general(x, w1a_ref[0].astype(jnp.bfloat16), cd,
                             preferred_element_type=jnp.float32)
    ga = jax.lax.dot_general(x, w3a_ref[0].astype(jnp.bfloat16), cd,
                             preferred_element_type=jnp.float32)
    acta = (ha * (1.0 / (1.0 + jnp.exp(-ha))) * ga).astype(jnp.bfloat16)
    hb = jax.lax.dot_general(x, w1b_ref[0].astype(jnp.bfloat16), cd,
                             preferred_element_type=jnp.float32)
    gb = jax.lax.dot_general(x, w3b_ref[0].astype(jnp.bfloat16), cd,
                             preferred_element_type=jnp.float32)
    actb = (hb * (1.0 / (1.0 + jnp.exp(-hb))) * gb).astype(jnp.bfloat16)
    part = (jax.lax.dot_general(acta, w2a_ref[0].astype(jnp.bfloat16), cd,
                                preferred_element_type=jnp.float32)
            + jax.lax.dot_general(actb, w2b_ref[0].astype(jnp.bfloat16), cd,
                                  preferred_element_type=jnp.float32))

    @pl.when(i == 0)
    def _():
        y_ref[0] = part

    @pl.when(i != 0)
    def _():
        y_ref[0] += part


def _experts(x, w1, w3, w2):
    t, hd = x.shape
    ne, di, _ = w1.shape
    ni = di // _BI
    up_a = pl.BlockSpec((1, _HB, hd), lambda e, i: (e, 2 * i, 0))
    up_b = pl.BlockSpec((1, _HB, hd), lambda e, i: (e, 2 * i + 1, 0))
    dn_a = pl.BlockSpec((1, hd, _HB), lambda e, i: (e, 0, 2 * i))
    dn_b = pl.BlockSpec((1, hd, _HB), lambda e, i: (e, 0, 2 * i + 1))
    return pl.pallas_call(
        _moe_body,
        grid=(ne, ni),
        in_specs=[
            pl.BlockSpec((t, hd), lambda e, i: (0, 0)),
            up_a, up_b, up_a, up_b, dn_a, dn_b,
        ],
        out_specs=pl.BlockSpec((1, t, hd), lambda e, i: (e, 0, 0)),
        out_shape=jax.ShapeDtypeStruct((ne, t, hd), jnp.float32),
    )(x, w1, w1, w3, w3, w2, w2)



def _combine_body(y_ref, cw_ref, out_ref):
    acc = cw_ref[:, 0:1] * y_ref[0]
    for e in range(1, _NE):
        acc += cw_ref[:, e:e + 1] * y_ref[e]
    out_ref[...] = acc


def _combine(y, cw):
    ne, t, hd = y.shape
    return pl.pallas_call(
        _combine_body,
        out_shape=jax.ShapeDtypeStruct((t, hd), jnp.float32),
    )(y, cw)


def kernel(hidden_states, gate_w, w1, w3, w2):
    orig_shape = hidden_states.shape
    x = hidden_states.reshape(-1, orig_shape[-1])
    y = _experts(x, w1, w3, w2)
    logits_t = _gate_logits(x, gate_w)
    cw = _sc_router(logits_t)
    out = _combine(y, cw)
    return out.reshape(orig_shape)

# --- scband reference (transcript-rebuilt; emitter-appended) ---
"""Pipeline reference for scband-grok1-mo-e-62002147885123 (READ-ONLY COPY).

The authoritative reference and input builder live on the scoring server;
editing this copy changes nothing except your own understanding.
"""

import jax, jax.numpy as jnp
import numpy as np

E = 8
TOP_K = 2
H = 1024
I = 2048
B = 8
S = 16


def setup_inputs(seed: int = 0) -> dict:
    key = jax.random.key(seed)
    ks = jax.random.split(key, 5)
    hidden_states = jax.random.normal(ks[0], (B, S, H), dtype=jnp.float32)
    # gate: ReplicatedLinear(hidden_size, num_experts, bias=False) -> weight [E, H]
    gate_w = jax.random.normal(ks[1], (E, H), dtype=jnp.float32) * 0.02
    # FusedMoE weights: w1 (gate proj) [E, I, H], w3 (up proj) [E, I, H], w2 (down proj) [E, H, I]
    w1 = jax.random.normal(ks[2], (E, I, H), dtype=jnp.float32) * 0.02
    w3 = jax.random.normal(ks[3], (E, I, H), dtype=jnp.float32) * 0.02
    w2 = jax.random.normal(ks[4], (E, H, I), dtype=jnp.float32) * 0.02
    return {"hidden_states": hidden_states, "gate_w": gate_w, "w1": w1, "w3": w3, "w2": w2}


def reference(hidden_states, gate_w, w1, w3, w2):
    orig_shape = hidden_states.shape
    x = hidden_states.reshape(-1, orig_shape[-1])  # [T, H]
    T = x.shape[0]
    n_exp = gate_w.shape[0]
    # gate
    router_logits = x @ gate_w.T  # [T, E]
    # Grok1 logit soft-capping
    router_logits = 30.0 * jnp.tanh(router_logits / 30.0)
    # FusedMoE with renormalize=False: softmax over ALL experts, then top-k (no renorm)
    probs = jax.nn.softmax(router_logits, axis=-1)
    topk_w, topk_ids = jax.lax.top_k(probs, TOP_K)  # [T, K]
    # dense combine weights via scatter-add: cw[t, e] = sum_k topk_w[t, k] * 1[topk_ids[t,k]==e]
    cw = jnp.zeros((T, n_exp), dtype=x.dtype).at[jnp.arange(T)[:, None], topk_ids].add(topk_w)
    # expert SwiGLU MLPs (computed densely over all experts, masked by combine weights)
    h = jnp.einsum('th,eih->eti', x, w1)   # gate proj
    g = jnp.einsum('th,eih->eti', x, w3)   # up proj
    act = jax.nn.silu(h) * g
    y = jnp.einsum('eti,ehi->eth', act, w2)  # down proj
    out = jnp.einsum('eth,te->th', y, cw)
    return out.reshape(orig_shape)

if __name__ == "__main__":
    import jax
    _d = setup_inputs()
    print(jax.jit(kernel)(*tuple(_d.values())))

</pallas_src>

<mosaic_0001>
#map = affine_map<(d0, d1) -> (0, 0)>
#map1 = affine_map<(d0, d1) -> (0)>
module attributes {stable_mosaic.version = 14 : i64} {
  func.func @_sc_router_body(%arg0: i32, %arg1: i32, %arg2: memref<8x128xf32, #tpu.memory_space<hbm>>, %arg3: memref<1024xf32, #tpu.memory_space<hbm>>, %arg4: memref<8x16xf32, #tpu.memory_space<vmem>>, %arg5: memref<128xf32, #tpu.memory_space<vmem>>, %arg6: memref<!tpu.dma_semaphore, #tpu.memory_space<semaphore_mem>>) attributes {dimension_semantics = [#tpu.dimension_semantics<core_parallel>, #tpu.dimension_semantics<subcore_parallel>], iteration_bounds = array<i64: 2, 16>, scalar_prefetch = 0 : i64, scratch_operands = 3 : i64, tpu.core_type = #tpu.core_type<sc_vector_subcore>, window_params = [{transform_indices = #map}, {transform_indices = #map1}]} {
    %mul3A = arith.constant 2 : i32
    %mul3A_0 = arith.muli %arg1, %mul3A : i32
    %add3A = arith.addi %mul3A_0, %arg0 : i32
    %lt3A = arith.constant 8 : i32
    %lt3A_1 = arith.cmpi slt, %add3A, %lt3A : i32
    %convert_element_type3A = arith.extui %lt3A_1 : i1 to i32
    %cond3A = arith.constant 0 : i32
    %cond3A_2 = arith.cmpi ne, %convert_element_type3A, %cond3A : i32
    scf.if %cond3A_2 {
      %mul3A_3 = arith.constant 16 : i32
      %mul3A_4 = arith.muli %add3A, %mul3A_3 : i32
      %run_scoped3A = arith.constant 0 : i32
      %run_scoped3A_5 = arith.constant 0 : i32
      "tpu.region"() ({
        %run_scoped3A_406 = tpu.sem_alloc : memref<!tpu.dma_semaphore, #tpu.memory_space<semaphore_mem>>
        %dma_start3A = arith.constant 0 : i32
        %dma_start3A_407 = tpu.memref_slice %arg4[%run_scoped3A_5, %dma_start3A] : memref<8x16xf32, #tpu.memory_space<vmem>> -> memref<1x16xf32, #tpu.memory_space<vmem>>
        %dma_start3A_408 = tpu.memref_squeeze %dma_start3A_407 : memref<1x16xf32, #tpu.memory_space<vmem>> -> memref<16xf32, #tpu.memory_space<vmem>>
        %dma_start3A_409 = tpu.memref_slice %arg2[%run_scoped3A, %mul3A_4] : memref<8x128xf32, #tpu.memory_space<hbm>> -> memref<1x16xf32, #tpu.memory_space<hbm>>
        %dma_start3A_410 = tpu.memref_squeeze %dma_start3A_409 : memref<1x16xf32, #tpu.memory_space<hbm>> -> memref<16xf32, #tpu.memory_space<hbm>>
        %dma_start3A_411 = arith.constant 0 : i32
        %dma_start3A_412 = tpu.memref_slice %arg4[%run_scoped3A_5, %dma_start3A_411] : memref<8x16xf32, #tpu.memory_space<vmem>> -> memref<1x16xf32, #tpu.memory_space<vmem>>
        %dma_start3A_413 = tpu.memref_squeeze %dma_start3A_412 : memref<1x16xf32, #tpu.memory_space<vmem>> -> memref<16xf32, #tpu.memory_space<vmem>>
        %dma_start3A_414 = tpu.memref_slice %arg2[%run_scoped3A, %mul3A_4] : memref<8x128xf32, #tpu.memory_space<hbm>> -> memref<1x16xf32, #tpu.memory_space<hbm>>
        %dma_start3A_415 = tpu.memref_squeeze %dma_start3A_414 : memref<1x16xf32, #tpu.memory_space<hbm>> -> memref<16xf32, #tpu.memory_space<hbm>>
        tpu.enqueue_dma source(%dma_start3A_415 : memref<16xf32, #tpu.memory_space<hbm>>) target(%dma_start3A_413 : memref<16xf32, #tpu.memory_space<vmem>>) target_semaphore(%run_scoped3A_406 : memref<!tpu.dma_semaphore, #tpu.memory_space<semaphore_mem>>)
        %dma_wait3A = arith.constant 0 : i32
        %dma_wait3A_416 = tpu.memref_slice %arg4[%run_scoped3A_5, %dma_wait3A] : memref<8x16xf32, #tpu.memory_space<vmem>> -> memref<1x16xf32, #tpu.memory_space<vmem>>
        %dma_wait3A_417 = tpu.memref_squeeze %dma_wait3A_416 : memref<1x16xf32, #tpu.memory_space<vmem>> -> memref<16xf32, #tpu.memory_space<vmem>>
        %dma_wait3A_418 = tpu.memref_slice %arg2[%run_scoped3A, %mul3A_4] : memref<8x128xf32, #tpu.memory_space<hbm>> -> memref<1x16xf32, #tpu.memory_space<hbm>>
        %dma_wait3A_419 = tpu.memref_squeeze %dma_wait3A_418 : memref<1x16xf32, #tpu.memory_space<hbm>> -> memref<16xf32, #tpu.memory_space<hbm>>
        %dma_wait3A_420 = arith.constant 0 : i32
        %dma_wait3A_421 = tpu.memref_slice %arg4[%run_scoped3A_5, %dma_wait3A_420] : memref<8x16xf32, #tpu.memory_space<vmem>> -> memref<1x16xf32, #tpu.memory_space<vmem>>
        %dma_wait3A_422 = tpu.memref_squeeze %dma_wait3A_421 : memref<1x16xf32, #tpu.memory_space<vmem>> -> memref<16xf32, #tpu.memory_space<vmem>>
        %dma_wait3A_423 = tpu.memref_slice %arg2[%run_scoped3A, %mul3A_4] : memref<8x128xf32, #tpu.memory_space<hbm>> -> memref<1x16xf32, #tpu.memory_space<hbm>>
        %dma_wait3A_424 = tpu.memref_squeeze %dma_wait3A_423 : memref<1x16xf32, #tpu.memory_space<hbm>> -> memref<16xf32, #tpu.memory_space<hbm>>
        tpu.wait_dma2 semaphore(%run_scoped3A_406 : memref<!tpu.dma_semaphore, #tpu.memory_space<semaphore_mem>>) src(%dma_wait3A_424 : memref<16xf32, #tpu.memory_space<hbm>>) dst(%dma_wait3A_422 : memref<16xf32, #tpu.memory_space<vmem>>)
        tpu.yield
      }) : () -> ()
      %run_scoped3A_6 = arith.constant 1 : i32
      %run_scoped3A_7 = arith.constant 1 : i32
      "tpu.region"() ({
        %run_scoped3A_406 = tpu.sem_alloc : memref<!tpu.dma_semaphore, #tpu.memory_space<semaphore_mem>>
        %dma_start3A = arith.constant 0 : i32
        %dma_start3A_407 = tpu.memref_slice %arg4[%run_scoped3A_7, %dma_start3A] : memref<8x16xf32, #tpu.memory_space<vmem>> -> memref<1x16xf32, #tpu.memory_space<vmem>>
        %dma_start3A_408 = tpu.memref_squeeze %dma_start3A_407 : memref<1x16xf32, #tpu.memory_space<vmem>> -> memref<16xf32, #tpu.memory_space<vmem>>
        %dma_start3A_409 = tpu.memref_slice %arg2[%run_scoped3A_6, %mul3A_4] : memref<8x128xf32, #tpu.memory_space<hbm>> -> memref<1x16xf32, #tpu.memory_space<hbm>>
        %dma_start3A_410 = tpu.memref_squeeze %dma_start3A_409 : memref<1x16xf32, #tpu.memory_space<hbm>> -> memref<16xf32, #tpu.memory_space<hbm>>
        %dma_start3A_411 = arith.constant 0 : i32
        %dma_start3A_412 = tpu.memref_slice %arg4[%run_scoped3A_7, %dma_start3A_411] : memref<8x16xf32, #tpu.memory_space<vmem>> -> memref<1x16xf32, #tpu.memory_space<vmem>>
        %dma_start3A_413 = tpu.memref_squeeze %dma_start3A_412 : memref<1x16xf32, #tpu.memory_space<vmem>> -> memref<16xf32, #tpu.memory_space<vmem>>
        %dma_start3A_414 = tpu.memref_slice %arg2[%run_scoped3A_6, %mul3A_4] : memref<8x128xf32, #tpu.memory_space<hbm>> -> memref<1x16xf32, #tpu.memory_space<hbm>>
        %dma_start3A_415 = tpu.memref_squeeze %dma_start3A_414 : memref<1x16xf32, #tpu.memory_space<hbm>> -> memref<16xf32, #tpu.memory_space<hbm>>
        tpu.enqueue_dma source(%dma_start3A_415 : memref<16xf32, #tpu.memory_space<hbm>>) target(%dma_start3A_413 : memref<16xf32, #tpu.memory_space<vmem>>) target_semaphore(%run_scoped3A_406 : memref<!tpu.dma_semaphore, #tpu.memory_space<semaphore_mem>>)
        %dma_wait3A = arith.constant 0 : i32
        %dma_wait3A_416 = tpu.memref_slice %arg4[%run_scoped3A_7, %dma_wait3A] : memref<8x16xf32, #tpu.memory_space<vmem>> -> memref<1x16xf32, #tpu.memory_space<vmem>>
        %dma_wait3A_417 = tpu.memref_squeeze %dma_wait3A_416 : memref<1x16xf32, #tpu.memory_space<vmem>> -> memref<16xf32, #tpu.memory_space<vmem>>
        %dma_wait3A_418 = tpu.memref_slice %arg2[%run_scoped3A_6, %mul3A_4] : memref<8x128xf32, #tpu.memory_space<hbm>> -> memref<1x16xf32, #tpu.memory_space<hbm>>
        %dma_wait3A_419 = tpu.memref_squeeze %dma_wait3A_418 : memref<1x16xf32, #tpu.memory_space<hbm>> -> memref<16xf32, #tpu.memory_space<hbm>>
        %dma_wait3A_420 = arith.constant 0 : i32
        %dma_wait3A_421 = tpu.memref_slice %arg4[%run_scoped3A_7, %dma_wait3A_420] : memref<8x16xf32, #tpu.memory_space<vmem>> -> memref<1x16xf32, #tpu.memory_space<vmem>>
        %dma_wait3A_422 = tpu.memref_squeeze %dma_wait3A_421 : memref<1x16xf32, #tpu.memory_space<vmem>> -> memref<16xf32, #tpu.memory_space<vmem>>
        %dma_wait3A_423 = tpu.memref_slice %arg2[%run_scoped3A_6, %mul3A_4] : memref<8x128xf32, #tpu.memory_space<hbm>> -> memref<1x16xf32, #tpu.memory_space<hbm>>
        %dma_wait3A_424 = tpu.memref_squeeze %dma_wait3A_423 : memref<1x16xf32, #tpu.memory_space<hbm>> -> memref<16xf32, #tpu.memory_space<hbm>>
        tpu.wait_dma2 semaphore(%run_scoped3A_406 : memref<!tpu.dma_semaphore, #tpu.memory_space<semaphore_mem>>) src(%dma_wait3A_424 : memref<16xf32, #tpu.memory_space<hbm>>) dst(%dma_wait3A_422 : memref<16xf32, #tpu.memory_space<vmem>>)
        tpu.yield
      }) : () -> ()
      %run_scoped3A_8 = arith.constant 2 : i32
      %run_scoped3A_9 = arith.constant 2 : i32
      "tpu.region"() ({
        %run_scoped3A_406 = tpu.sem_alloc : memref<!tpu.dma_semaphore, #tpu.memory_space<semaphore_mem>>
        %dma_start3A = arith.constant 0 : i32
        %dma_start3A_407 = tpu.memref_slice %arg4[%run_scoped3A_9, %dma_start3A] : memref<8x16xf32, #tpu.memory_space<vmem>> -> memref<1x16xf32, #tpu.memory_space<vmem>>
        %dma_start3A_408 = tpu.memref_squeeze %dma_start3A_407 : memref<1x16xf32, #tpu.memory_space<vmem>> -> memref<16xf32, #tpu.memory_space<vmem>>
        %dma_start3A_409 = tpu.memref_slice %arg2[%run_scoped3A_8, %mul3A_4] : memref<8x128xf32, #tpu.memory_space<hbm>> -> memref<1x16xf32, #tpu.memory_space<hbm>>
        %dma_start3A_410 = tpu.memref_squeeze %dma_start3A_409 : memref<1x16xf32, #tpu.memory_space<hbm>> -> memref<16xf32, #tpu.memory_space<hbm>>
        %dma_start3A_411 = arith.constant 0 : i32
        %dma_start3A_412 = tpu.memref_slice %arg4[%run_scoped3A_9, %dma_start3A_411] : memref<8x16xf32, #tpu.memory_space<vmem>> -> memref<1x16xf32, #tpu.memory_space<vmem>>
        %dma_start3A_413 = tpu.memref_squeeze %dma_start3A_412 : memref<1x16xf32, #tpu.memory_space<vmem>> -> memref<16xf32, #tpu.memory_space<vmem>>
        %dma_start3A_414 = tpu.memref_slice %arg2[%run_scoped3A_8, %mul3A_4] : memref<8x128xf32, #tpu.memory_space<hbm>> -> memref<1x16xf32, #tpu.memory_space<hbm>>
        %dma_start3A_415 = tpu.memref_squeeze %dma_start3A_414 : memref<1x16xf32, #tpu.memory_space<hbm>> -> memref<16xf32, #tpu.memory_space<hbm>>
        tpu.enqueue_dma source(%dma_start3A_415 : memref<16xf32, #tpu.memory_space<hbm>>) target(%dma_start3A_413 : memref<16xf32, #tpu.memory_space<vmem>>) target_semaphore(%run_scoped3A_406 : memref<!tpu.dma_semaphore, #tpu.memory_space<semaphore_mem>>)
        %dma_wait3A = arith.constant 0 : i32
        %dma_wait3A_416 = tpu.memref_slice %arg4[%run_scoped3A_9, %dma_wait3A] : memref<8x16xf32, #tpu.memory_space<vmem>> -> memref<1x16xf32, #tpu.memory_space<vmem>>
        %dma_wait3A_417 = tpu.memref_squeeze %dma_wait3A_416 : memref<1x16xf32, #tpu.memory_space<vmem>> -> memref<16xf32, #tpu.memory_space<vmem>>
        %dma_wait3A_418 = tpu.memref_slice %arg2[%run_scoped3A_8, %mul3A_4] : memref<8x128xf32, #tpu.memory_space<hbm>> -> memref<1x16xf32, #tpu.memory_space<hbm>>
        %dma_wait3A_419 = tpu.memref_squeeze %dma_wait3A_418 : memref<1x16xf32, #tpu.memory_space<hbm>> -> memref<16xf32, #tpu.memory_space<hbm>>
        %dma_wait3A_420 = arith.constant 0 : i32
        %dma_wait3A_421 = tpu.memref_slice %arg4[%run_scoped3A_9, %dma_wait3A_420] : memref<8x16xf32, #tpu.memory_space<vmem>> -> memref<1x16xf32, #tpu.memory_space<vmem>>
        %dma_wait3A_422 = tpu.memref_squeeze %dma_wait3A_421 : memref<1x16xf32, #tpu.memory_space<vmem>> -> memref<16xf32, #tpu.memory_space<vmem>>
        %dma_wait3A_423 = tpu.memref_slice %arg2[%run_scoped3A_8, %mul3A_4] : memref<8x128xf32, #tpu.memory_space<hbm>> -> memref<1x16xf32, #tpu.memory_space<hbm>>
        %dma_wait3A_424 = tpu.memref_squeeze %dma_wait3A_423 : memref<1x16xf32, #tpu.memory_space<hbm>> -> memref<16xf32, #tpu.memory_space<hbm>>
        tpu.wait_dma2 semaphore(%run_scoped3A_406 : memref<!tpu.dma_semaphore, #tpu.memory_space<semaphore_mem>>) src(%dma_wait3A_424 : memref<16xf32, #tpu.memory_space<hbm>>) dst(%dma_wait3A_422 : memref<16xf32, #tpu.memory_space<vmem>>)
        tpu.yield
      }) : () -> ()
      %run_scoped3A_10 = arith.constant 3 : i32
      %run_scoped3A_11 = arith.constant 3 : i32
      "tpu.region"() ({
        %run_scoped3A_406 = tpu.sem_alloc : memref<!tpu.dma_semaphore, #tpu.memory_space<semaphore_mem>>
        %dma_start3A = arith.constant 0 : i32
        %dma_start3A_407 = tpu.memref_slice %arg4[%run_scoped3A_11, %dma_start3A] : memref<8x16xf32, #tpu.memory_space<vmem>> -> memref<1x16xf32, #tpu.memory_space<vmem>>
        %dma_start3A_408 = tpu.memref_squeeze %dma_start3A_407 : memref<1x16xf32, #tpu.memory_space<vmem>> -> memref<16xf32, #tpu.memory_space<vmem>>
        %dma_start3A_409 = tpu.memref_slice %arg2[%run_scoped3A_10, %mul3A_4] : memref<8x128xf32, #tpu.memory_space<hbm>> -> memref<1x16xf32, #tpu.memory_space<hbm>>
        %dma_start3A_410 = tpu.memref_squeeze %dma_start3A_409 : memref<1x16xf32, #tpu.memory_space<hbm>> -> memref<16xf32, #tpu.memory_space<hbm>>
        %dma_start3A_411 = arith.constant 0 : i32
        %dma_start3A_412 = tpu.memref_slice %arg4[%run_scoped3A_11, %dma_start3A_411] : memref<8x16xf32, #tpu.memory_space<vmem>> -> memref<1x16xf32, #tpu.memory_space<vmem>>
        %dma_start3A_413 = tpu.memref_squeeze %dma_start3A_412 : memref<1x16xf32, #tpu.memory_space<vmem>> -> memref<16xf32, #tpu.memory_space<vmem>>
        %dma_start3A_414 = tpu.memref_slice %arg2[%run_scoped3A_10, %mul3A_4] : memref<8x128xf32, #tpu.memory_space<hbm>> -> memref<1x16xf32, #tpu.memory_space<hbm>>
        %dma_start3A_415 = tpu.memref_squeeze %dma_start3A_414 : memref<1x16xf32, #tpu.memory_space<hbm>> -> memref<16xf32, #tpu.memory_space<hbm>>
        tpu.enqueue_dma source(%dma_start3A_415 : memref<16xf32, #tpu.memory_space<hbm>>) target(%dma_start3A_413 : memref<16xf32, #tpu.memory_space<vmem>>) target_semaphore(%run_scoped3A_406 : memref<!tpu.dma_semaphore, #tpu.memory_space<semaphore_mem>>)
        %dma_wait3A = arith.constant 0 : i32
        %dma_wait3A_416 = tpu.memref_slice %arg4[%run_scoped3A_11, %dma_wait3A] : memref<8x16xf32, #tpu.memory_space<vmem>> -> memref<1x16xf32, #tpu.memory_space<vmem>>
        %dma_wait3A_417 = tpu.memref_squeeze %dma_wait3A_416 : memref<1x16xf32, #tpu.memory_space<vmem>> -> memref<16xf32, #tpu.memory_space<vmem>>
        %dma_wait3A_418 = tpu.memref_slice %arg2[%run_scoped3A_10, %mul3A_4] : memref<8x128xf32, #tpu.memory_space<hbm>> -> memref<1x16xf32, #tpu.memory_space<hbm>>
        %dma_wait3A_419 = tpu.memref_squeeze %dma_wait3A_418 : memref<1x16xf32, #tpu.memory_space<hbm>> -> memref<16xf32, #tpu.memory_space<hbm>>
        %dma_wait3A_420 = arith.constant 0 : i32
        %dma_wait3A_421 = tpu.memref_slice %arg4[%run_scoped3A_11, %dma_wait3A_420] : memref<8x16xf32, #tpu.memory_space<vmem>> -> memref<1x16xf32, #tpu.memory_space<vmem>>
        %dma_wait3A_422 = tpu.memref_squeeze %dma_wait3A_421 : memref<1x16xf32, #tpu.memory_space<vmem>> -> memref<16xf32, #tpu.memory_space<vmem>>
        %dma_wait3A_423 = tpu.memref_slice %arg2[%run_scoped3A_10, %mul3A_4] : memref<8x128xf32, #tpu.memory_space<hbm>> -> memref<1x16xf32, #tpu.memory_space<hbm>>
        %dma_wait3A_424 = tpu.memref_squeeze %dma_wait3A_423 : memref<1x16xf32, #tpu.memory_space<hbm>> -> memref<16xf32, #tpu.memory_space<hbm>>
        tpu.wait_dma2 semaphore(%run_scoped3A_406 : memref<!tpu.dma_semaphore, #tpu.memory_space<semaphore_mem>>) src(%dma_wait3A_424 : memref<16xf32, #tpu.memory_space<hbm>>) dst(%dma_wait3A_422 : memref<16xf32, #tpu.memory_space<vmem>>)
        tpu.yield
      }) : () -> ()
      %run_scoped3A_12 = arith.constant 4 : i32
      %run_scoped3A_13 = arith.constant 4 : i32
      "tpu.region"() ({
        %run_scoped3A_406 = tpu.sem_alloc : memref<!tpu.dma_semaphore, #tpu.memory_space<semaphore_mem>>
        %dma_start3A = arith.constant 0 : i32
        %dma_start3A_407 = tpu.memref_slice %arg4[%run_scoped3A_13, %dma_start3A] : memref<8x16xf32, #tpu.memory_space<vmem>> -> memref<1x16xf32, #tpu.memory_space<vmem>>
        %dma_start3A_408 = tpu.memref_squeeze %dma_start3A_407 : memref<1x16xf32, #tpu.memory_space<vmem>> -> memref<16xf32, #tpu.memory_space<vmem>>
        %dma_start3A_409 = tpu.memref_slice %arg2[%run_scoped3A_12, %mul3A_4] : memref<8x128xf32, #tpu.memory_space<hbm>> -> memref<1x16xf32, #tpu.memory_space<hbm>>
        %dma_start3A_410 = tpu.memref_squeeze %dma_start3A_409 : memref<1x16xf32, #tpu.memory_space<hbm>> -> memref<16xf32, #tpu.memory_space<hbm>>
        %dma_start3A_411 = arith.constant 0 : i32
        %dma_start3A_412 = tpu.memref_slice %arg4[%run_scoped3A_13, %dma_start3A_411] : memref<8x16xf32, #tpu.memory_space<vmem>> -> memref<1x16xf32, #tpu.memory_space<vmem>>
        %dma_start3A_413 = tpu.memref_squeeze %dma_start3A_412 : memref<1x16xf32, #tpu.memory_space<vmem>> -> memref<16xf32, #tpu.memory_space<vmem>>
        %dma_start3A_414 = tpu.memref_slice %arg2[%run_scoped3A_12, %mul3A_4] : memref<8x128xf32, #tpu.memory_space<hbm>> -> memref<1x16xf32, #tpu.memory_space<hbm>>
        %dma_start3A_415 = tpu.memref_squeeze %dma_start3A_414 : memref<1x16xf32, #tpu.memory_space<hbm>> -> memref<16xf32, #tpu.memory_space<hbm>>
        tpu.enqueue_dma source(%dma_start3A_415 : memref<16xf32, #tpu.memory_space<hbm>>) target(%dma_start3A_413 : memref<16xf32, #tpu.memory_space<vmem>>) target_semaphore(%run_scoped3A_406 : memref<!tpu.dma_semaphore, #tpu.memory_space<semaphore_mem>>)
        %dma_wait3A = arith.constant 0 : i32
        %dma_wait3A_416 = tpu.memref_slice %arg4[%run_scoped3A_13, %dma_wait3A] : memref<8x16xf32, #tpu.memory_space<vmem>> -> memref<1x16xf32, #tpu.memory_space<vmem>>
        %dma_wait3A_417 = tpu.memref_squeeze %dma_wait3A_416 : memref<1x16xf32, #tpu.memory_space<vmem>> -> memref<16xf32, #tpu.memory_space<vmem>>
        %dma_wait3A_418 = tpu.memref_slice %arg2[%run_scoped3A_12, %mul3A_4] : memref<8x128xf32, #tpu.memory_space<hbm>> -> memref<1x16xf32, #tpu.memory_space<hbm>>
        %dma_wait3A_419 = tpu.memref_squeeze %dma_wait3A_418 : memref<1x16xf32, #tpu.memory_space<hbm>> -> memref<16xf32, #tpu.memory_space<hbm>>
        %dma_wait3A_420 = arith.constant 0 : i32
        %dma_wait3A_421 = tpu.memref_slice %arg4[%run_scoped3A_13, %dma_wait3A_420] : memref<8x16xf32, #tpu.memory_space<vmem>> -> memref<1x16xf32, #tpu.memory_space<vmem>>
        %dma_wait3A_422 = tpu.memref_squeeze %dma_wait3A_421 : memref<1x16xf32, #tpu.memory_space<vmem>> -> memref<16xf32, #tpu.memory_space<vmem>>
        %dma_wait3A_423 = tpu.memref_slice %arg2[%run_scoped3A_12, %mul3A_4] : memref<8x128xf32, #tpu.memory_space<hbm>> -> memref<1x16xf32, #tpu.memory_space<hbm>>
        %dma_wait3A_424 = tpu.memref_squeeze %dma_wait3A_423 : memref<1x16xf32, #tpu.memory_space<hbm>> -> memref<16xf32, #tpu.memory_space<hbm>>
        tpu.wait_dma2 semaphore(%run_scoped3A_406 : memref<!tpu.dma_semaphore, #tpu.memory_space<semaphore_mem>>) src(%dma_wait3A_424 : memref<16xf32, #tpu.memory_space<hbm>>) dst(%dma_wait3A_422 : memref<16xf32, #tpu.memory_space<vmem>>)
        tpu.yield
      }) : () -> ()
      %run_scoped3A_14 = arith.constant 5 : i32
      %run_scoped3A_15 = arith.constant 5 : i32
      "tpu.region"() ({
        %run_scoped3A_406 = tpu.sem_alloc : memref<!tpu.dma_semaphore, #tpu.memory_space<semaphore_mem>>
        %dma_start3A = arith.constant 0 : i32
        %dma_start3A_407 = tpu.memref_slice %arg4[%run_scoped3A_15, %dma_start3A] : memref<8x16xf32, #tpu.memory_space<vmem>> -> memref<1x16xf32, #tpu.memory_space<vmem>>
        %dma_start3A_408 = tpu.memref_squeeze %dma_start3A_407 : memref<1x16xf32, #tpu.memory_space<vmem>> -> memref<16xf32, #tpu.memory_space<vmem>>
        %dma_start3A_409 = tpu.memref_slice %arg2[%run_scoped3A_14, %mul3A_4] : memref<8x128xf32, #tpu.memory_space<hbm>> -> memref<1x16xf32, #tpu.memory_space<hbm>>
        %dma_start3A_410 = tpu.memref_squeeze %dma_start3A_409 : memref<1x16xf32, #tpu.memory_space<hbm>> -> memref<16xf32, #tpu.memory_space<hbm>>
        %dma_start3A_411 = arith.constant 0 : i32
        %dma_start3A_412 = tpu.memref_slice %arg4[%run_scoped3A_15, %dma_start3A_411] : memref<8x16xf32, #tpu.memory_space<vmem>> -> memref<1x16xf32, #tpu.memory_space<vmem>>
        %dma_start3A_413 = tpu.memref_squeeze %dma_start3A_412 : memref<1x16xf32, #tpu.memory_space<vmem>> -> memref<16xf32, #tpu.memory_space<vmem>>
        %dma_start3A_414 = tpu.memref_slice %arg2[%run_scoped3A_14, %mul3A_4] : memref<8x128xf32, #tpu.memory_space<hbm>> -> memref<1x16xf32, #tpu.memory_space<hbm>>
        %dma_start3A_415 = tpu.memref_squeeze %dma_start3A_414 : memref<1x16xf32, #tpu.memory_space<hbm>> -> memref<16xf32, #tpu.memory_space<hbm>>
        tpu.enqueue_dma source(%dma_start3A_415 : memref<16xf32, #tpu.memory_space<hbm>>) target(%dma_start3A_413 : memref<16xf32, #tpu.memory_space<vmem>>) target_semaphore(%run_scoped3A_406 : memref<!tpu.dma_semaphore, #tpu.memory_space<semaphore_mem>>)
        %dma_wait3A = arith.constant 0 : i32
        %dma_wait3A_416 = tpu.memref_slice %arg4[%run_scoped3A_15, %dma_wait3A] : memref<8x16xf32, #tpu.memory_space<vmem>> -> memref<1x16xf32, #tpu.memory_space<vmem>>
        %dma_wait3A_417 = tpu.memref_squeeze %dma_wait3A_416 : memref<1x16xf32, #tpu.memory_space<vmem>> -> memref<16xf32, #tpu.memory_space<vmem>>
        %dma_wait3A_418 = tpu.memref_slice %arg2[%run_scoped3A_14, %mul3A_4] : memref<8x128xf32, #tpu.memory_space<hbm>> -> memref<1x16xf32, #tpu.memory_space<hbm>>
        %dma_wait3A_419 = tpu.memref_squeeze %dma_wait3A_418 : memref<1x16xf32, #tpu.memory_space<hbm>> -> memref<16xf32, #tpu.memory_space<hbm>>
        %dma_wait3A_420 = arith.constant 0 : i32
        %dma_wait3A_421 = tpu.memref_slice %arg4[%run_scoped3A_15, %dma_wait3A_420] : memref<8x16xf32, #tpu.memory_space<vmem>> -> memref<1x16xf32, #tpu.memory_space<vmem>>
        %dma_wait3A_422 = tpu.memref_squeeze %dma_wait3A_421 : memref<1x16xf32, #tpu.memory_space<vmem>> -> memref<16xf32, #tpu.memory_space<vmem>>
        %dma_wait3A_423 = tpu.memref_slice %arg2[%run_scoped3A_14, %mul3A_4] : memref<8x128xf32, #tpu.memory_space<hbm>> -> memref<1x16xf32, #tpu.memory_space<hbm>>
        %dma_wait3A_424 = tpu.memref_squeeze %dma_wait3A_423 : memref<1x16xf32, #tpu.memory_space<hbm>> -> memref<16xf32, #tpu.memory_space<hbm>>
        tpu.wait_dma2 semaphore(%run_scoped3A_406 : memref<!tpu.dma_semaphore, #tpu.memory_space<semaphore_mem>>) src(%dma_wait3A_424 : memref<16xf32, #tpu.memory_space<hbm>>) dst(%dma_wait3A_422 : memref<16xf32, #tpu.memory_space<vmem>>)
        tpu.yield
      }) : () -> ()
      %run_scoped3A_16 = arith.constant 6 : i32
      %run_scoped3A_17 = arith.constant 6 : i32
      "tpu.region"() ({
        %run_scoped3A_406 = tpu.sem_alloc : memref<!tpu.dma_semaphore, #tpu.memory_space<semaphore_mem>>
        %dma_start3A = arith.constant 0 : i32
        %dma_start3A_407 = tpu.memref_slice %arg4[%run_scoped3A_17, %dma_start3A] : memref<8x16xf32, #tpu.memory_space<vmem>> -> memref<1x16xf32, #tpu.memory_space<vmem>>
        %dma_start3A_408 = tpu.memref_squeeze %dma_start3A_407 : memref<1x16xf32, #tpu.memory_space<vmem>> -> memref<16xf32, #tpu.memory_space<vmem>>
        %dma_start3A_409 = tpu.memref_slice %arg2[%run_scoped3A_16, %mul3A_4] : memref<8x128xf32, #tpu.memory_space<hbm>> -> memref<1x16xf32, #tpu.memory_space<hbm>>
        %dma_start3A_410 = tpu.memref_squeeze %dma_start3A_409 : memref<1x16xf32, #tpu.memory_space<hbm>> -> memref<16xf32, #tpu.memory_space<hbm>>
        %dma_start3A_411 = arith.constant 0 : i32
        %dma_start3A_412 = tpu.memref_slice %arg4[%run_scoped3A_17, %dma_start3A_411] : memref<8x16xf32, #tpu.memory_space<vmem>> -> memref<1x16xf32, #tpu.memory_space<vmem>>
        %dma_start3A_413 = tpu.memref_squeeze %dma_start3A_412 : memref<1x16xf32, #tpu.memory_space<vmem>> -> memref<16xf32, #tpu.memory_space<vmem>>
        %dma_start3A_414 = tpu.memref_slice %arg2[%run_scoped3A_16, %mul3A_4] : memref<8x128xf32, #tpu.memory_space<hbm>> -> memref<1x16xf32, #tpu.memory_space<hbm>>
        %dma_start3A_415 = tpu.memref_squeeze %dma_start3A_414 : memref<1x16xf32, #tpu.memory_space<hbm>> -> memref<16xf32, #tpu.memory_space<hbm>>
        tpu.enqueue_dma source(%dma_start3A_415 : memref<16xf32, #tpu.memory_space<hbm>>) target(%dma_start3A_413 : memref<16xf32, #tpu.memory_space<vmem>>) target_semaphore(%run_scoped3A_406 : memref<!tpu.dma_semaphore, #tpu.memory_space<semaphore_mem>>)
        %dma_wait3A = arith.constant 0 : i32
        %dma_wait3A_416 = tpu.memref_slice %arg4[%run_scoped3A_17, %dma_wait3A] : memref<8x16xf32, #tpu.memory_space<vmem>> -> memref<1x16xf32, #tpu.memory_space<vmem>>
        %dma_wait3A_417 = tpu.memref_squeeze %dma_wait3A_416 : memref<1x16xf32, #tpu.memory_space<vmem>> -> memref<16xf32, #tpu.memory_space<vmem>>
        %dma_wait3A_418 = tpu.memref_slice %arg2[%run_scoped3A_16, %mul3A_4] : memref<8x128xf32, #tpu.memory_space<hbm>> -> memref<1x16xf32, #tpu.memory_space<hbm>>
        %dma_wait3A_419 = tpu.memref_squeeze %dma_wait3A_418 : memref<1x16xf32, #tpu.memory_space<hbm>> -> memref<16xf32, #tpu.memory_space<hbm>>
        %dma_wait3A_420 = arith.constant 0 : i32
        %dma_wait3A_421 = tpu.memref_slice %arg4[%run_scoped3A_17, %dma_wait3A_420] : memref<8x16xf32, #tpu.memory_space<vmem>> -> memref<1x16xf32, #tpu.memory_space<vmem>>
        %dma_wait3A_422 = tpu.memref_squeeze %dma_wait3A_421 : memref<1x16xf32, #tpu.memory_space<vmem>> -> memref<16xf32, #tpu.memory_space<vmem>>
        %dma_wait3A_423 = tpu.memref_slice %arg2[%run_scoped3A_16, %mul3A_4] : memref<8x128xf32, #tpu.memory_space<hbm>> -> memref<1x16xf32, #tpu.memory_space<hbm>>
        %dma_wait3A_424 = tpu.memref_squeeze %dma_wait3A_423 : memref<1x16xf32, #tpu.memory_space<hbm>> -> memref<16xf32, #tpu.memory_space<hbm>>
        tpu.wait_dma2 semaphore(%run_scoped3A_406 : memref<!tpu.dma_semaphore, #tpu.memory_space<semaphore_mem>>) src(%dma_wait3A_424 : memref<16xf32, #tpu.memory_space<hbm>>) dst(%dma_wait3A_422 : memref<16xf32, #tpu.memory_space<vmem>>)
        tpu.yield
      }) : () -> ()
      %run_scoped3A_18 = arith.constant 7 : i32
      %run_scoped3A_19 = arith.constant 7 : i32
      "tpu.region"() ({
        %run_scoped3A_406 = tpu.sem_alloc : memref<!tpu.dma_semaphore, #tpu.memory_space<semaphore_mem>>
        %dma_start3A = arith.constant 0 : i32
        %dma_start3A_407 = tpu.memref_slice %arg4[%run_scoped3A_19, %dma_start3A] : memref<8x16xf32, #tpu.memory_space<vmem>> -> memref<1x16xf32, #tpu.memory_space<vmem>>
        %dma_start3A_408 = tpu.memref_squeeze %dma_start3A_407 : memref<1x16xf32, #tpu.memory_space<vmem>> -> memref<16xf32, #tpu.memory_space<vmem>>
        %dma_start3A_409 = tpu.memref_slice %arg2[%run_scoped3A_18, %mul3A_4] : memref<8x128xf32, #tpu.memory_space<hbm>> -> memref<1x16xf32, #tpu.memory_space<hbm>>
        %dma_start3A_410 = tpu.memref_squeeze %dma_start3A_409 : memref<1x16xf32, #tpu.memory_space<hbm>> -> memref<16xf32, #tpu.memory_space<hbm>>
        %dma_start3A_411 = arith.constant 0 : i32
        %dma_start3A_412 = tpu.memref_slice %arg4[%run_scoped3A_19, %dma_start3A_411] : memref<8x16xf32, #tpu.memory_space<vmem>> -> memref<1x16xf32, #tpu.memory_space<vmem>>
        %dma_start3A_413 = tpu.memref_squeeze %dma_start3A_412 : memref<1x16xf32, #tpu.memory_space<vmem>> -> memref<16xf32, #tpu.memory_space<vmem>>
        %dma_start3A_414 = tpu.memref_slice %arg2[%run_scoped3A_18, %mul3A_4] : memref<8x128xf32, #tpu.memory_space<hbm>> -> memref<1x16xf32, #tpu.memory_space<hbm>>
        %dma_start3A_415 = tpu.memref_squeeze %dma_start3A_414 : memref<1x16xf32, #tpu.memory_space<hbm>> -> memref<16xf32, #tpu.memory_space<hbm>>
        tpu.enqueue_dma source(%dma_start3A_415 : memref<16xf32, #tpu.memory_space<hbm>>) target(%dma_start3A_413 : memref<16xf32, #tpu.memory_space<vmem>>) target_semaphore(%run_scoped3A_406 : memref<!tpu.dma_semaphore, #tpu.memory_space<semaphore_mem>>)
        %dma_wait3A = arith.constant 0 : i32
        %dma_wait3A_416 = tpu.memref_slice %arg4[%run_scoped3A_19, %dma_wait3A] : memref<8x16xf32, #tpu.memory_space<vmem>> -> memref<1x16xf32, #tpu.memory_space<vmem>>
        %dma_wait3A_417 = tpu.memref_squeeze %dma_wait3A_416 : memref<1x16xf32, #tpu.memory_space<vmem>> -> memref<16xf32, #tpu.memory_space<vmem>>
        %dma_wait3A_418 = tpu.memref_slice %arg2[%run_scoped3A_18, %mul3A_4] : memref<8x128xf32, #tpu.memory_space<hbm>> -> memref<1x16xf32, #tpu.memory_space<hbm>>
        %dma_wait3A_419 = tpu.memref_squeeze %dma_wait3A_418 : memref<1x16xf32, #tpu.memory_space<hbm>> -> memref<16xf32, #tpu.memory_space<hbm>>
        %dma_wait3A_420 = arith.constant 0 : i32
        %dma_wait3A_421 = tpu.memref_slice %arg4[%run_scoped3A_19, %dma_wait3A_420] : memref<8x16xf32, #tpu.memory_space<vmem>> -> memref<1x16xf32, #tpu.memory_space<vmem>>
        %dma_wait3A_422 = tpu.memref_squeeze %dma_wait3A_421 : memref<1x16xf32, #tpu.memory_space<vmem>> -> memref<16xf32, #tpu.memory_space<vmem>>
        %dma_wait3A_423 = tpu.memref_slice %arg2[%run_scoped3A_18, %mul3A_4] : memref<8x128xf32, #tpu.memory_space<hbm>> -> memref<1x16xf32, #tpu.memory_space<hbm>>
        %dma_wait3A_424 = tpu.memref_squeeze %dma_wait3A_423 : memref<1x16xf32, #tpu.memory_space<hbm>> -> memref<16xf32, #tpu.memory_space<hbm>>
        tpu.wait_dma2 semaphore(%run_scoped3A_406 : memref<!tpu.dma_semaphore, #tpu.memory_space<semaphore_mem>>) src(%dma_wait3A_424 : memref<16xf32, #tpu.memory_space<hbm>>) dst(%dma_wait3A_422 : memref<16xf32, #tpu.memory_space<vmem>>)
        tpu.yield
      }) : () -> ()
      %get3A = arith.constant 0 : i32
      %get3A_20 = arith.index_cast %get3A : i32 to index
      %get3A_21 = arith.constant 0 : index
      %get3A_22 = tpu.vector_load %arg4[%get3A_20, %get3A_21] {strides = array<i32>} : memref<8x16xf32, #tpu.memory_space<vmem>>, vector<16xf32>,
      %get3A_23 = arith.constant 1 : i32
      %get3A_24 = arith.index_cast %get3A_23 : i32 to index
      %get3A_25 = arith.constant 0 : index
      %get3A_26 = tpu.vector_load %arg4[%get3A_24, %get3A_25] {strides = array<i32>} : memref<8x16xf32, #tpu.memory_space<vmem>>, vector<16xf32>,
      %get3A_27 = arith.constant 2 : i32
      %get3A_28 = arith.index_cast %get3A_27 : i32 to index
      %get3A_29 = arith.constant 0 : index
      %get3A_30 = tpu.vector_load %arg4[%get3A_28, %get3A_29] {strides = array<i32>} : memref<8x16xf32, #tpu.memory_space<vmem>>, vector<16xf32>,
      %get3A_31 = arith.constant 3 : i32
      %get3A_32 = arith.index_cast %get3A_31 : i32 to index
      %get3A_33 = arith.constant 0 : index
      %get3A_34 = tpu.vector_load %arg4[%get3A_32, %get3A_33] {strides = array<i32>} : memref<8x16xf32, #tpu.memory_space<vmem>>, vector<16xf32>,
      %get3A_35 = arith.constant 4 : i32
      %get3A_36 = arith.index_cast %get3A_35 : i32 to index
      %get3A_37 = arith.constant 0 : index
      %get3A_38 = tpu.vector_load %arg4[%get3A_36, %get3A_37] {strides = array<i32>} : memref<8x16xf32, #tpu.memory_space<vmem>>, vector<16xf32>,
      %get3A_39 = arith.constant 5 : i32
      %get3A_40 = arith.index_cast %get3A_39 : i32 to index
      %get3A_41 = arith.constant 0 : index
      %get3A_42 = tpu.vector_load %arg4[%get3A_40, %get3A_41] {strides = array<i32>} : memref<8x16xf32, #tpu.memory_space<vmem>>, vector<16xf32>,
      %get3A_43 = arith.constant 6 : i32
      %get3A_44 = arith.index_cast %get3A_43 : i32 to index
      %get3A_45 = arith.constant 0 : index
      %get3A_46 = tpu.vector_load %arg4[%get3A_44, %get3A_45] {strides = array<i32>} : memref<8x16xf32, #tpu.memory_space<vmem>>, vector<16xf32>,
      %get3A_47 = arith.constant 7 : i32
      %get3A_48 = arith.index_cast %get3A_47 : i32 to index
      %get3A_49 = arith.constant 0 : index
      %get3A_50 = tpu.vector_load %arg4[%get3A_48, %get3A_49] {strides = array<i32>} : memref<8x16xf32, #tpu.memory_space<vmem>>, vector<16xf32>,
      %max3A = arith.maximumf %get3A_22, %get3A_26 : vector<16xf32>
      %max3A_51 = arith.maximumf %max3A, %get3A_30 : vector<16xf32>
      %max3A_52 = arith.maximumf %max3A_51, %get3A_34 : vector<16xf32>
      %max3A_53 = arith.maximumf %max3A_52, %get3A_38 : vector<16xf32>
      %max3A_54 = arith.maximumf %max3A_53, %get3A_42 : vector<16xf32>
      %max3A_55 = arith.maximumf %max3A_54, %get3A_46 : vector<16xf32>
      %max3A_56 = arith.maximumf %max3A_55, %get3A_50 : vector<16xf32>
      %sub3A = arith.subf %get3A_22, %max3A_56 : vector<16xf32>
      %exp3A = math.exp %sub3A : vector<16xf32>
      %sub3A_57 = arith.subf %get3A_26, %max3A_56 : vector<16xf32>
      %exp3A_58 = math.exp %sub3A_57 : vector<16xf32>
      %sub3A_59 = arith.subf %get3A_30, %max3A_56 : vector<16xf32>
      %exp3A_60 = math.exp %sub3A_59 : vector<16xf32>
      %sub3A_61 = arith.subf %get3A_34, %max3A_56 : vector<16xf32>
      %exp3A_62 = math.exp %sub3A_61 : vector<16xf32>
      %sub3A_63 = arith.subf %get3A_38, %max3A_56 : vector<16xf32>
      %exp3A_64 = math.exp %sub3A_63 : vector<16xf32>
      %sub3A_65 = arith.subf %get3A_42, %max3A_56 : vector<16xf32>
      %exp3A_66 = math.exp %sub3A_65 : vector<16xf32>
      %sub3A_67 = arith.subf %get3A_46, %max3A_56 : vector<16xf32>
      %exp3A_68 = math.exp %sub3A_67 : vector<16xf32>
      %sub3A_69 = arith.subf %get3A_50, %max3A_56 : vector<16xf32>
      %exp3A_70 = math.exp %sub3A_69 : vector<16xf32>
      %add3A_71 = arith.addf %exp3A, %exp3A_58 : vector<16xf32>
      %add3A_72 = arith.addf %add3A_71, %exp3A_60 : vector<16xf32>
      %add3A_73 = arith.addf %add3A_72, %exp3A_62 : vector<16xf32>
      %add3A_74 = arith.addf %add3A_73, %exp3A_64 : vector<16xf32>
      %add3A_75 = arith.addf %add3A_74, %exp3A_66 : vector<16xf32>
      %add3A_76 = arith.addf %add3A_75, %exp3A_68 : vector<16xf32>
      %add3A_77 = arith.addf %add3A_76, %exp3A_70 : vector<16xf32>
      %div3A = arith.divf %exp3A, %add3A_77 : vector<16xf32>
      %div3A_78 = arith.divf %exp3A_58, %add3A_77 : vector<16xf32>
      %div3A_79 = arith.divf %exp3A_60, %add3A_77 : vector<16xf32>
      %div3A_80 = arith.divf %exp3A_62, %add3A_77 : vector<16xf32>
      %div3A_81 = arith.divf %exp3A_64, %add3A_77 : vector<16xf32>
      %div3A_82 = arith.divf %exp3A_66, %add3A_77 : vector<16xf32>
      %div3A_83 = arith.divf %exp3A_68, %add3A_77 : vector<16xf32>
      %div3A_84 = arith.divf %exp3A_70, %add3A_77 : vector<16xf32>
      %broadcast_in_dim3A = arith.constant 0 : i32
      %broadcast_in_dim3A_85 = vector.broadcast %broadcast_in_dim3A : i32 to vector<16xi32>
      %broadcast_in_dim3A_86 = arith.constant 1 : i32
      %broadcast_in_dim3A_87 = vector.broadcast %broadcast_in_dim3A_86 : i32 to vector<16xi32>
      %iota3A = tpu.iota {dimensions = array<i32: 0>} : vector<16xi32>
      %gt3A = arith.cmpf ogt, %div3A_78, %div3A : vector<16xf32>
      %select_n3A = arith.select %gt3A, %broadcast_in_dim3A_87, %broadcast_in_dim3A_85 : vector<16xi1>, vector<16xi32>
      %add3A_88 = arith.addi %broadcast_in_dim3A_85, %select_n3A : vector<16xi32>
      %gt3A_89 = arith.cmpf ogt, %div3A_79, %div3A : vector<16xf32>
      %select_n3A_90 = arith.select %gt3A_89, %broadcast_in_dim3A_87, %broadcast_in_dim3A_85 : vector<16xi1>, vector<16xi32>
      %add3A_91 = arith.addi %add3A_88, %select_n3A_90 : vector<16xi32>
      %gt3A_92 = arith.cmpf ogt, %div3A_80, %div3A : vector<16xf32>
      %select_n3A_93 = arith.select %gt3A_92, %broadcast_in_dim3A_87, %broadcast_in_dim3A_85 : vector<16xi1>, vector<16xi32>
      %add3A_94 = arith.addi %add3A_91, %select_n3A_93 : vector<16xi32>
      %gt3A_95 = arith.cmpf ogt, %div3A_81, %div3A : vector<16xf32>
      %select_n3A_96 = arith.select %gt3A_95, %broadcast_in_dim3A_87, %broadcast_in_dim3A_85 : vector<16xi1>, vector<16xi32>
      %add3A_97 = arith.addi %add3A_94, %select_n3A_96 : vector<16xi32>
      %gt3A_98 = arith.cmpf ogt, %div3A_82, %div3A : vector<16xf32>
      %select_n3A_99 = arith.select %gt3A_98, %broadcast_in_dim3A_87, %broadcast_in_dim3A_85 : vector<16xi1>, vector<16xi32>
      %add3A_100 = arith.addi %add3A_97, %select_n3A_99 : vector<16xi32>
      %gt3A_101 = arith.cmpf ogt, %div3A_83, %div3A : vector<16xf32>
      %select_n3A_102 = arith.select %gt3A_101, %broadcast_in_dim3A_87, %broadcast_in_dim3A_85 : vector<16xi1>, vector<16xi32>
      %add3A_103 = arith.addi %add3A_100, %select_n3A_102 : vector<16xi32>
      %gt3A_104 = arith.cmpf ogt, %div3A_84, %div3A : vector<16xf32>
      %select_n3A_105 = arith.select %gt3A_104, %broadcast_in_dim3A_87, %broadcast_in_dim3A_85 : vector<16xi1>, vector<16xi32>
      %add3A_106 = arith.addi %add3A_103, %select_n3A_105 : vector<16xi32>
      %lt3A_107 = arith.constant 2 : i32
      %lt3A_108 = vector.broadcast %lt3A_107 : i32 to vector<16xi32>
      %lt3A_109 = arith.cmpi slt, %add3A_106, %lt3A_108 : vector<16xi32>
      %jit3A = arith.constant 0.000000e+00 : f32
      %broadcast_in_dim3A_110 = vector.broadcast %jit3A : f32 to vector<16xf32>
      %select_n3A_111 = arith.select %lt3A_109, %div3A, %broadcast_in_dim3A_110 : vector<16xi1>, vector<16xf32>
      %mul3A_112 = arith.constant 8 : i32
      %mul3A_113 = vector.broadcast %mul3A_112 : i32 to vector<16xi32>
      %mul3A_114 = arith.muli %iota3A, %mul3A_113 : vector<16xi32>
      %add3A_115 = arith.constant 0 : i32
      %add3A_116 = vector.broadcast %add3A_115 : i32 to vector<16xi32>
      %add3A_117 = arith.addi %mul3A_114, %add3A_116 : vector<16xi32>
      tpu.vector_store_idx %arg5[%add3A_117], %select_n3A_111 : memref<128xf32, #tpu.memory_space<vmem>>[vector<16xi32>], vector<16xf32>,
      %gt3A_118 = arith.cmpf ogt, %div3A, %div3A_78 : vector<16xf32>
      %select_n3A_119 = arith.select %gt3A_118, %broadcast_in_dim3A_87, %broadcast_in_dim3A_85 : vector<16xi1>, vector<16xi32>
      %eq3A = arith.cmpf oeq, %div3A, %div3A_78 : vector<16xf32>
      %select_n3A_120 = arith.select %eq3A, %broadcast_in_dim3A_87, %select_n3A_119 : vector<16xi1>, vector<16xi32>
      %add3A_121 = arith.addi %broadcast_in_dim3A_85, %select_n3A_120 : vector<16xi32>
      %gt3A_122 = arith.cmpf ogt, %div3A_79, %div3A_78 : vector<16xf32>
      %select_n3A_123 = arith.select %gt3A_122, %broadcast_in_dim3A_87, %broadcast_in_dim3A_85 : vector<16xi1>, vector<16xi32>
      %add3A_124 = arith.addi %add3A_121, %select_n3A_123 : vector<16xi32>
      %gt3A_125 = arith.cmpf ogt, %div3A_80, %div3A_78 : vector<16xf32>
      %select_n3A_126 = arith.select %gt3A_125, %broadcast_in_dim3A_87, %broadcast_in_dim3A_85 : vector<16xi1>, vector<16xi32>
      %add3A_127 = arith.addi %add3A_124, %select_n3A_126 : vector<16xi32>
      %gt3A_128 = arith.cmpf ogt, %div3A_81, %div3A_78 : vector<16xf32>
      %select_n3A_129 = arith.select %gt3A_128, %broadcast_in_dim3A_87, %broadcast_in_dim3A_85 : vector<16xi1>, vector<16xi32>
      %add3A_130 = arith.addi %add3A_127, %select_n3A_129 : vector<16xi32>
      %gt3A_131 = arith.cmpf ogt, %div3A_82, %div3A_78 : vector<16xf32>
      %select_n3A_132 = arith.select %gt3A_131, %broadcast_in_dim3A_87, %broadcast_in_dim3A_85 : vector<16xi1>, vector<16xi32>
      %add3A_133 = arith.addi %add3A_130, %select_n3A_132 : vector<16xi32>
      %gt3A_134 = arith.cmpf ogt, %div3A_83, %div3A_78 : vector<16xf32>
      %select_n3A_135 = arith.select %gt3A_134, %broadcast_in_dim3A_87, %broadcast_in_dim3A_85 : vector<16xi1>, vector<16xi32>
      %add3A_136 = arith.addi %add3A_133, %select_n3A_135 : vector<16xi32>
      %gt3A_137 = arith.cmpf ogt, %div3A_84, %div3A_78 : vector<16xf32>
      %select_n3A_138 = arith.select %gt3A_137, %broadcast_in_dim3A_87, %broadcast_in_dim3A_85 : vector<16xi1>, vector<16xi32>
      %add3A_139 = arith.addi %add3A_136, %select_n3A_138 : vector<16xi32>
      %lt3A_140 = arith.constant 2 : i32
      %lt3A_141 = vector.broadcast %lt3A_140 : i32 to vector<16xi32>
      %lt3A_142 = arith.cmpi slt, %add3A_139, %lt3A_141 : vector<16xi32>
      %jit3A_143 = arith.constant 0.000000e+00 : f32
      %broadcast_in_dim3A_144 = vector.broadcast %jit3A_143 : f32 to vector<16xf32>
      %select_n3A_145 = arith.select %lt3A_142, %div3A_78, %broadcast_in_dim3A_144 : vector<16xi1>, vector<16xf32>
      %mul3A_146 = arith.constant 8 : i32
      %mul3A_147 = vector.broadcast %mul3A_146 : i32 to vector<16xi32>
      %mul3A_148 = arith.muli %iota3A, %mul3A_147 : vector<16xi32>
      %add3A_149 = arith.constant 1 : i32
      %add3A_150 = vector.broadcast %add3A_149 : i32 to vector<16xi32>
      %add3A_151 = arith.addi %mul3A_148, %add3A_150 : vector<16xi32>
      tpu.vector_store_idx %arg5[%add3A_151], %select_n3A_145 : memref<128xf32, #tpu.memory_space<vmem>>[vector<16xi32>], vector<16xf32>,
      %gt3A_152 = arith.cmpf ogt, %div3A, %div3A_79 : vector<16xf32>
      %select_n3A_153 = arith.select %gt3A_152, %broadcast_in_dim3A_87, %broadcast_in_dim3A_85 : vector<16xi1>, vector<16xi32>
      %eq3A_154 = arith.cmpf oeq, %div3A, %div3A_79 : vector<16xf32>
      %select_n3A_155 = arith.select %eq3A_154, %broadcast_in_dim3A_87, %select_n3A_153 : vector<16xi1>, vector<16xi32>
      %add3A_156 = arith.addi %broadcast_in_dim3A_85, %select_n3A_155 : vector<16xi32>
      %gt3A_157 = arith.cmpf ogt, %div3A_78, %div3A_79 : vector<16xf32>
      %select_n3A_158 = arith.select %gt3A_157, %broadcast_in_dim3A_87, %broadcast_in_dim3A_85 : vector<16xi1>, vector<16xi32>
      %eq3A_159 = arith.cmpf oeq, %div3A_78, %div3A_79 : vector<16xf32>
      %select_n3A_160 = arith.select %eq3A_159, %broadcast_in_dim3A_87, %select_n3A_158 : vector<16xi1>, vector<16xi32>
      %add3A_161 = arith.addi %add3A_156, %select_n3A_160 : vector<16xi32>
      %gt3A_162 = arith.cmpf ogt, %div3A_80, %div3A_79 : vector<16xf32>
      %select_n3A_163 = arith.select %gt3A_162, %broadcast_in_dim3A_87, %broadcast_in_dim3A_85 : vector<16xi1>, vector<16xi32>
      %add3A_164 = arith.addi %add3A_161, %select_n3A_163 : vector<16xi32>
      %gt3A_165 = arith.cmpf ogt, %div3A_81, %div3A_79 : vector<16xf32>
      %select_n3A_166 = arith.select %gt3A_165, %broadcast_in_dim3A_87, %broadcast_in_dim3A_85 : vector<16xi1>, vector<16xi32>
      %add3A_167 = arith.addi %add3A_164, %select_n3A_166 : vector<16xi32>
      %gt3A_168 = arith.cmpf ogt, %div3A_82, %div3A_79 : vector<16xf32>
      %select_n3A_169 = arith.select %gt3A_168, %broadcast_in_dim3A_87, %broadcast_in_dim3A_85 : vector<16xi1>, vector<16xi32>
      %add3A_170 = arith.addi %add3A_167, %select_n3A_169 : vector<16xi32>
      %gt3A_171 = arith.cmpf ogt, %div3A_83, %div3A_79 : vector<16xf32>
      %select_n3A_172 = arith.select %gt3A_171, %broadcast_in_dim3A_87, %broadcast_in_dim3A_85 : vector<16xi1>, vector<16xi32>
      %add3A_173 = arith.addi %add3A_170, %select_n3A_172 : vector<16xi32>
      %gt3A_174 = arith.cmpf ogt, %div3A_84, %div3A_79 : vector<16xf32>
      %select_n3A_175 = arith.select %gt3A_174, %broadcast_in_dim3A_87, %broadcast_in_dim3A_85 : vector<16xi1>, vector<16xi32>
      %add3A_176 = arith.addi %add3A_173, %select_n3A_175 : vector<16xi32>
      %lt3A_177 = arith.constant 2 : i32
      %lt3A_178 = vector.broadcast %lt3A_177 : i32 to vector<16xi32>
      %lt3A_179 = arith.cmpi slt, %add3A_176, %lt3A_178 : vector<16xi32>
      %jit3A_180 = arith.constant 0.000000e+00 : f32
      %broadcast_in_dim3A_181 = vector.broadcast %jit3A_180 : f32 to vector<16xf32>
      %select_n3A_182 = arith.select %lt3A_179, %div3A_79, %broadcast_in_dim3A_181 : vector<16xi1>, vector<16xf32>
      %mul3A_183 = arith.constant 8 : i32
      %mul3A_184 = vector.broadcast %mul3A_183 : i32 to vector<16xi32>
      %mul3A_185 = arith.muli %iota3A, %mul3A_184 : vector<16xi32>
      %add3A_186 = arith.constant 2 : i32
      %add3A_187 = vector.broadcast %add3A_186 : i32 to vector<16xi32>
      %add3A_188 = arith.addi %mul3A_185, %add3A_187 : vector<16xi32>
      tpu.vector_store_idx %arg5[%add3A_188], %select_n3A_182 : memref<128xf32, #tpu.memory_space<vmem>>[vector<16xi32>], vector<16xf32>,
      %gt3A_189 = arith.cmpf ogt, %div3A, %div3A_80 : vector<16xf32>
      %select_n3A_190 = arith.select %gt3A_189, %broadcast_in_dim3A_87, %broadcast_in_dim3A_85 : vector<16xi1>, vector<16xi32>
      %eq3A_191 = arith.cmpf oeq, %div3A, %div3A_80 : vector<16xf32>
      %select_n3A_192 = arith.select %eq3A_191, %broadcast_in_dim3A_87, %select_n3A_190 : vector<16xi1>, vector<16xi32>
      %add3A_193 = arith.addi %broadcast_in_dim3A_85, %select_n3A_192 : vector<16xi32>
      %gt3A_194 = arith.cmpf ogt, %div3A_78, %div3A_80 : vector<16xf32>
      %select_n3A_195 = arith.select %gt3A_194, %broadcast_in_dim3A_87, %broadcast_in_dim3A_85 : vector<16xi1>, vector<16xi32>
      %eq3A_196 = arith.cmpf oeq, %div3A_78, %div3A_80 : vector<16xf32>
      %select_n3A_197 = arith.select %eq3A_196, %broadcast_in_dim3A_87, %select_n3A_195 : vector<16xi1>, vector<16xi32>
      %add3A_198 = arith.addi %add3A_193, %select_n3A_197 : vector<16xi32>
      %gt3A_199 = arith.cmpf ogt, %div3A_79, %div3A_80 : vector<16xf32>
      %select_n3A_200 = arith.select %gt3A_199, %broadcast_in_dim3A_87, %broadcast_in_dim3A_85 : vector<16xi1>, vector<16xi32>
      %eq3A_201 = arith.cmpf oeq, %div3A_79, %div3A_80 : vector<16xf32>
      %select_n3A_202 = arith.select %eq3A_201, %broadcast_in_dim3A_87, %select_n3A_200 : vector<16xi1>, vector<16xi32>
      %add3A_203 = arith.addi %add3A_198, %select_n3A_202 : vector<16xi32>
      %gt3A_204 = arith.cmpf ogt, %div3A_81, %div3A_80 : vector<16xf32>
      %select_n3A_205 = arith.select %gt3A_204, %broadcast_in_dim3A_87, %broadcast_in_dim3A_85 : vector<16xi1>, vector<16xi32>
      %add3A_206 = arith.addi %add3A_203, %select_n3A_205 : vector<16xi32>
      %gt3A_207 = arith.cmpf ogt, %div3A_82, %div3A_80 : vector<16xf32>
      %select_n3A_208 = arith.select %gt3A_207, %broadcast_in_dim3A_87, %broadcast_in_dim3A_85 : vector<16xi1>, vector<16xi32>
      %add3A_209 = arith.addi %add3A_206, %select_n3A_208 : vector<16xi32>
      %gt3A_210 = arith.cmpf ogt, %div3A_83, %div3A_80 : vector<16xf32>
      %select_n3A_211 = arith.select %gt3A_210, %broadcast_in_dim3A_87, %broadcast_in_dim3A_85 : vector<16xi1>, vector<16xi32>
      %add3A_212 = arith.addi %add3A_209, %select_n3A_211 : vector<16xi32>
      %gt3A_213 = arith.cmpf ogt, %div3A_84, %div3A_80 : vector<16xf32>
      %select_n3A_214 = arith.select %gt3A_213, %broadcast_in_dim3A_87, %broadcast_in_dim3A_85 : vector<16xi1>, vector<16xi32>
      %add3A_215 = arith.addi %add3A_212, %select_n3A_214 : vector<16xi32>
      %lt3A_216 = arith.constant 2 : i32
      %lt3A_217 = vector.broadcast %lt3A_216 : i32 to vector<16xi32>
      %lt3A_218 = arith.cmpi slt, %add3A_215, %lt3A_217 : vector<16xi32>
      %jit3A_219 = arith.constant 0.000000e+00 : f32
      %broadcast_in_dim3A_220 = vector.broadcast %jit3A_219 : f32 to vector<16xf32>
      %select_n3A_221 = arith.select %lt3A_218, %div3A_80, %broadcast_in_dim3A_220 : vector<16xi1>, vector<16xf32>
      %mul3A_222 = arith.constant 8 : i32
      %mul3A_223 = vector.broadcast %mul3A_222 : i32 to vector<16xi32>
      %mul3A_224 = arith.muli %iota3A, %mul3A_223 : vector<16xi32>
      %add3A_225 = arith.constant 3 : i32
      %add3A_226 = vector.broadcast %add3A_225 : i32 to vector<16xi32>
      %add3A_227 = arith.addi %mul3A_224, %add3A_226 : vector<16xi32>
      tpu.vector_store_idx %arg5[%add3A_227], %select_n3A_221 : memref<128xf32, #tpu.memory_space<vmem>>[vector<16xi32>], vector<16xf32>,
      %gt3A_228 = arith.cmpf ogt, %div3A, %div3A_81 : vector<16xf32>
      %select_n3A_229 = arith.select %gt3A_228, %broadcast_in_dim3A_87, %broadcast_in_dim3A_85 : vector<16xi1>, vector<16xi32>
      %eq3A_230 = arith.cmpf oeq, %div3A, %div3A_81 : vector<16xf32>
      %select_n3A_231 = arith.select %eq3A_230, %broadcast_in_dim3A_87, %select_n3A_229 : vector<16xi1>, vector<16xi32>
      %add3A_232 = arith.addi %broadcast_in_dim3A_85, %select_n3A_231 : vector<16xi32>
      %gt3A_233 = arith.cmpf ogt, %div3A_78, %div3A_81 : vector<16xf32>
      %select_n3A_234 = arith.select %gt3A_233, %broadcast_in_dim3A_87, %broadcast_in_dim3A_85 : vector<16xi1>, vector<16xi32>
      %eq3A_235 = arith.cmpf oeq, %div3A_78, %div3A_81 : vector<16xf32>
      %select_n3A_236 = arith.select %eq3A_235, %broadcast_in_dim3A_87, %select_n3A_234 : vector<16xi1>, vector<16xi32>
      %add3A_237 = arith.addi %add3A_232, %select_n3A_236 : vector<16xi32>
      %gt3A_238 = arith.cmpf ogt, %div3A_79, %div3A_81 : vector<16xf32>
      %select_n3A_239 = arith.select %gt3A_238, %broadcast_in_dim3A_87, %broadcast_in_dim3A_85 : vector<16xi1>, vector<16xi32>
      %eq3A_240 = arith.cmpf oeq, %div3A_79, %div3A_81 : vector<16xf32>
      %select_n3A_241 = arith.select %eq3A_240, %broadcast_in_dim3A_87, %select_n3A_239 : vector<16xi1>, vector<16xi32>
      %add3A_242 = arith.addi %add3A_237, %select_n3A_241 : vector<16xi32>
      %gt3A_243 = arith.cmpf ogt, %div3A_80, %div3A_81 : vector<16xf32>
      %select_n3A_244 = arith.select %gt3A_243, %broadcast_in_dim3A_87, %broadcast_in_dim3A_85 : vector<16xi1>, vector<16xi32>
      %eq3A_245 = arith.cmpf oeq, %div3A_80, %div3A_81 : vector<16xf32>
      %select_n3A_246 = arith.select %eq3A_245, %broadcast_in_dim3A_87, %select_n3A_244 : vector<16xi1>, vector<16xi32>
      %add3A_247 = arith.addi %add3A_242, %select_n3A_246 : vector<16xi32>
      %gt3A_248 = arith.cmpf ogt, %div3A_82, %div3A_81 : vector<16xf32>
      %select_n3A_249 = arith.select %gt3A_248, %broadcast_in_dim3A_87, %broadcast_in_dim3A_85 : vector<16xi1>, vector<16xi32>
      %add3A_250 = arith.addi %add3A_247, %select_n3A_249 : vector<16xi32>
      %gt3A_251 = arith.cmpf ogt, %div3A_83, %div3A_81 : vector<16xf32>
      %select_n3A_252 = arith.select %gt3A_251, %broadcast_in_dim3A_87, %broadcast_in_dim3A_85 : vector<16xi1>, vector<16xi32>
      %add3A_253 = arith.addi %add3A_250, %select_n3A_252 : vector<16xi32>
      %gt3A_254 = arith.cmpf ogt, %div3A_84, %div3A_81 : vector<16xf32>
      %select_n3A_255 = arith.select %gt3A_254, %broadcast_in_dim3A_87, %broadcast_in_dim3A_85 : vector<16xi1>, vector<16xi32>
      %add3A_256 = arith.addi %add3A_253, %select_n3A_255 : vector<16xi32>
      %lt3A_257 = arith.constant 2 : i32
      %lt3A_258 = vector.broadcast %lt3A_257 : i32 to vector<16xi32>
      %lt3A_259 = arith.cmpi slt, %add3A_256, %lt3A_258 : vector<16xi32>
      %jit3A_260 = arith.constant 0.000000e+00 : f32
      %broadcast_in_dim3A_261 = vector.broadcast %jit3A_260 : f32 to vector<16xf32>
      %select_n3A_262 = arith.select %lt3A_259, %div3A_81, %broadcast_in_dim3A_261 : vector<16xi1>, vector<16xf32>
      %mul3A_263 = arith.constant 8 : i32
      %mul3A_264 = vector.broadcast %mul3A_263 : i32 to vector<16xi32>
      %mul3A_265 = arith.muli %iota3A, %mul3A_264 : vector<16xi32>
      %add3A_266 = arith.constant 4 : i32
      %add3A_267 = vector.broadcast %add3A_266 : i32 to vector<16xi32>
      %add3A_268 = arith.addi %mul3A_265, %add3A_267 : vector<16xi32>
      tpu.vector_store_idx %arg5[%add3A_268], %select_n3A_262 : memref<128xf32, #tpu.memory_space<vmem>>[vector<16xi32>], vector<16xf32>,
      %gt3A_269 = arith.cmpf ogt, %div3A, %div3A_82 : vector<16xf32>
      %select_n3A_270 = arith.select %gt3A_269, %broadcast_in_dim3A_87, %broadcast_in_dim3A_85 : vector<16xi1>, vector<16xi32>
      %eq3A_271 = arith.cmpf oeq, %div3A, %div3A_82 : vector<16xf32>
      %select_n3A_272 = arith.select %eq3A_271, %broadcast_in_dim3A_87, %select_n3A_270 : vector<16xi1>, vector<16xi32>
      %add3A_273 = arith.addi %broadcast_in_dim3A_85, %select_n3A_272 : vector<16xi32>
      %gt3A_274 = arith.cmpf ogt, %div3A_78, %div3A_82 : vector<16xf32>
      %select_n3A_275 = arith.select %gt3A_274, %broadcast_in_dim3A_87, %broadcast_in_dim3A_85 : vector<16xi1>, vector<16xi32>
      %eq3A_276 = arith.cmpf oeq, %div3A_78, %div3A_82 : vector<16xf32>
      %select_n3A_277 = arith.select %eq3A_276, %broadcast_in_dim3A_87, %select_n3A_275 : vector<16xi1>, vector<16xi32>
      %add3A_278 = arith.addi %add3A_273, %select_n3A_277 : vector<16xi32>
      %gt3A_279 = arith.cmpf ogt, %div3A_79, %div3A_82 : vector<16xf32>
      %select_n3A_280 = arith.select %gt3A_279, %broadcast_in_dim3A_87, %broadcast_in_dim3A_85 : vector<16xi1>, vector<16xi32>
      %eq3A_281 = arith.cmpf oeq, %div3A_79, %div3A_82 : vector<16xf32>
      %select_n3A_282 = arith.select %eq3A_281, %broadcast_in_dim3A_87, %select_n3A_280 : vector<16xi1>, vector<16xi32>
      %add3A_283 = arith.addi %add3A_278, %select_n3A_282 : vector<16xi32>
      %gt3A_284 = arith.cmpf ogt, %div3A_80, %div3A_82 : vector<16xf32>
      %select_n3A_285 = arith.select %gt3A_284, %broadcast_in_dim3A_87, %broadcast_in_dim3A_85 : vector<16xi1>, vector<16xi32>
      %eq3A_286 = arith.cmpf oeq, %div3A_80, %div3A_82 : vector<16xf32>
      %select_n3A_287 = arith.select %eq3A_286, %broadcast_in_dim3A_87, %select_n3A_285 : vector<16xi1>, vector<16xi32>
      %add3A_288 = arith.addi %add3A_283, %select_n3A_287 : vector<16xi32>
      %gt3A_289 = arith.cmpf ogt, %div3A_81, %div3A_82 : vector<16xf32>
      %select_n3A_290 = arith.select %gt3A_289, %broadcast_in_dim3A_87, %broadcast_in_dim3A_85 : vector<16xi1>, vector<16xi32>
      %eq3A_291 = arith.cmpf oeq, %div3A_81, %div3A_82 : vector<16xf32>
      %select_n3A_292 = arith.select %eq3A_291, %broadcast_in_dim3A_87, %select_n3A_290 : vector<16xi1>, vector<16xi32>
      %add3A_293 = arith.addi %add3A_288, %select_n3A_292 : vector<16xi32>
      %gt3A_294 = arith.cmpf ogt, %div3A_83, %div3A_82 : vector<16xf32>
      %select_n3A_295 = arith.select %gt3A_294, %broadcast_in_dim3A_87, %broadcast_in_dim3A_85 : vector<16xi1>, vector<16xi32>
      %add3A_296 = arith.addi %add3A_293, %select_n3A_295 : vector<16xi32>
      %gt3A_297 = arith.cmpf ogt, %div3A_84, %div3A_82 : vector<16xf32>
      %select_n3A_298 = arith.select %gt3A_297, %broadcast_in_dim3A_87, %broadcast_in_dim3A_85 : vector<16xi1>, vector<16xi32>
      %add3A_299 = arith.addi %add3A_296, %select_n3A_298 : vector<16xi32>
      %lt3A_300 = arith.constant 2 : i32
      %lt3A_301 = vector.broadcast %lt3A_300 : i32 to vector<16xi32>
      %lt3A_302 = arith.cmpi slt, %add3A_299, %lt3A_301 : vector<16xi32>
      %jit3A_303 = arith.constant 0.000000e+00 : f32
      %broadcast_in_dim3A_304 = vector.broadcast %jit3A_303 : f32 to vector<16xf32>
      %select_n3A_305 = arith.select %lt3A_302, %div3A_82, %broadcast_in_dim3A_304 : vector<16xi1>, vector<16xf32>
      %mul3A_306 = arith.constant 8 : i32
      %mul3A_307 = vector.broadcast %mul3A_306 : i32 to vector<16xi32>
      %mul3A_308 = arith.muli %iota3A, %mul3A_307 : vector<16xi32>
      %add3A_309 = arith.constant 5 : i32
      %add3A_310 = vector.broadcast %add3A_309 : i32 to vector<16xi32>
      %add3A_311 = arith.addi %mul3A_308, %add3A_310 : vector<16xi32>
      tpu.vector_store_idx %arg5[%add3A_311], %select_n3A_305 : memref<128xf32, #tpu.memory_space<vmem>>[vector<16xi32>], vector<16xf32>,
      %gt3A_312 = arith.cmpf ogt, %div3A, %div3A_83 : vector<16xf32>
      %select_n3A_313 = arith.select %gt3A_312, %broadcast_in_dim3A_87, %broadcast_in_dim3A_85 : vector<16xi1>, vector<16xi32>
      %eq3A_314 = arith.cmpf oeq, %div3A, %div3A_83 : vector<16xf32>
      %select_n3A_315 = arith.select %eq3A_314, %broadcast_in_dim3A_87, %select_n3A_313 : vector<16xi1>, vector<16xi32>
      %add3A_316 = arith.addi %broadcast_in_dim3A_85, %select_n3A_315 : vector<16xi32>
      %gt3A_317 = arith.cmpf ogt, %div3A_78, %div3A_83 : vector<16xf32>
      %select_n3A_318 = arith.select %gt3A_317, %broadcast_in_dim3A_87, %broadcast_in_dim3A_85 : vector<16xi1>, vector<16xi32>
      %eq3A_319 = arith.cmpf oeq, %div3A_78, %div3A_83 : vector<16xf32>
      %select_n3A_320 = arith.select %eq3A_319, %broadcast_in_dim3A_87, %select_n3A_318 : vector<16xi1>, vector<16xi32>
      %add3A_321 = arith.addi %add3A_316, %select_n3A_320 : vector<16xi32>
      %gt3A_322 = arith.cmpf ogt, %div3A_79, %div3A_83 : vector<16xf32>
      %select_n3A_323 = arith.select %gt3A_322, %broadcast_in_dim3A_87, %broadcast_in_dim3A_85 : vector<16xi1>, vector<16xi32>
      %eq3A_324 = arith.cmpf oeq, %div3A_79, %div3A_83 : vector<16xf32>
      %select_n3A_325 = arith.select %eq3A_324, %broadcast_in_dim3A_87, %select_n3A_323 : vector<16xi1>, vector<16xi32>
      %add3A_326 = arith.addi %add3A_321, %select_n3A_325 : vector<16xi32>
      %gt3A_327 = arith.cmpf ogt, %div3A_80, %div3A_83 : vector<16xf32>
      %select_n3A_328 = arith.select %gt3A_327, %broadcast_in_dim3A_87, %broadcast_in_dim3A_85 : vector<16xi1>, vector<16xi32>
      %eq3A_329 = arith.cmpf oeq, %div3A_80, %div3A_83 : vector<16xf32>
      %select_n3A_330 = arith.select %eq3A_329, %broadcast_in_dim3A_87, %select_n3A_328 : vector<16xi1>, vector<16xi32>
      %add3A_331 = arith.addi %add3A_326, %select_n3A_330 : vector<16xi32>
      %gt3A_332 = arith.cmpf ogt, %div3A_81, %div3A_83 : vector<16xf32>
      %select_n3A_333 = arith.select %gt3A_332, %broadcast_in_dim3A_87, %broadcast_in_dim3A_85 : vector<16xi1>, vector<16xi32>
      %eq3A_334 = arith.cmpf oeq, %div3A_81, %div3A_83 : vector<16xf32>
      %select_n3A_335 = arith.select %eq3A_334, %broadcast_in_dim3A_87, %select_n3A_333 : vector<16xi1>, vector<16xi32>
      %add3A_336 = arith.addi %add3A_331, %select_n3A_335 : vector<16xi32>
      %gt3A_337 = arith.cmpf ogt, %div3A_82, %div3A_83 : vector<16xf32>
      %select_n3A_338 = arith.select %gt3A_337, %broadcast_in_dim3A_87, %broadcast_in_dim3A_85 : vector<16xi1>, vector<16xi32>
      %eq3A_339 = arith.cmpf oeq, %div3A_82, %div3A_83 : vector<16xf32>
      %select_n3A_340 = arith.select %eq3A_339, %broadcast_in_dim3A_87, %select_n3A_338 : vector<16xi1>, vector<16xi32>
      %add3A_341 = arith.addi %add3A_336, %select_n3A_340 : vector<16xi32>
      %gt3A_342 = arith.cmpf ogt, %div3A_84, %div3A_83 : vector<16xf32>
      %select_n3A_343 = arith.select %gt3A_342, %broadcast_in_dim3A_87, %broadcast_in_dim3A_85 : vector<16xi1>, vector<16xi32>
      %add3A_344 = arith.addi %add3A_341, %select_n3A_343 : vector<16xi32>
      %lt3A_345 = arith.constant 2 : i32
      %lt3A_346 = vector.broadcast %lt3A_345 : i32 to vector<16xi32>
      %lt3A_347 = arith.cmpi slt, %add3A_344, %lt3A_346 : vector<16xi32>
      %jit3A_348 = arith.constant 0.000000e+00 : f32
      %broadcast_in_dim3A_349 = vector.broadcast %jit3A_348 : f32 to vector<16xf32>
      %select_n3A_350 = arith.select %lt3A_347, %div3A_83, %broadcast_in_dim3A_349 : vector<16xi1>, vector<16xf32>
      %mul3A_351 = arith.constant 8 : i32
      %mul3A_352 = vector.broadcast %mul3A_351 : i32 to vector<16xi32>
      %mul3A_353 = arith.muli %iota3A, %mul3A_352 : vector<16xi32>
      %add3A_354 = arith.constant 6 : i32
      %add3A_355 = vector.broadcast %add3A_354 : i32 to vector<16xi32>
      %add3A_356 = arith.addi %mul3A_353, %add3A_355 : vector<16xi32>
      tpu.vector_store_idx %arg5[%add3A_356], %select_n3A_350 : memref<128xf32, #tpu.memory_space<vmem>>[vector<16xi32>], vector<16xf32>,
      %gt3A_357 = arith.cmpf ogt, %div3A, %div3A_84 : vector<16xf32>
      %select_n3A_358 = arith.select %gt3A_357, %broadcast_in_dim3A_87, %broadcast_in_dim3A_85 : vector<16xi1>, vector<16xi32>
      %eq3A_359 = arith.cmpf oeq, %div3A, %div3A_84 : vector<16xf32>
      %select_n3A_360 = arith.select %eq3A_359, %broadcast_in_dim3A_87, %select_n3A_358 : vector<16xi1>, vector<16xi32>
      %add3A_361 = arith.addi %broadcast_in_dim3A_85, %select_n3A_360 : vector<16xi32>
      %gt3A_362 = arith.cmpf ogt, %div3A_78, %div3A_84 : vector<16xf32>
      %select_n3A_363 = arith.select %gt3A_362, %broadcast_in_dim3A_87, %broadcast_in_dim3A_85 : vector<16xi1>, vector<16xi32>
      %eq3A_364 = arith.cmpf oeq, %div3A_78, %div3A_84 : vector<16xf32>
      %select_n3A_365 = arith.select %eq3A_364, %broadcast_in_dim3A_87, %select_n3A_363 : vector<16xi1>, vector<16xi32>
      %add3A_366 = arith.addi %add3A_361, %select_n3A_365 : vector<16xi32>
      %gt3A_367 = arith.cmpf ogt, %div3A_79, %div3A_84 : vector<16xf32>
      %select_n3A_368 = arith.select %gt3A_367, %broadcast_in_dim3A_87, %broadcast_in_dim3A_85 : vector<16xi1>, vector<16xi32>
      %eq3A_369 = arith.cmpf oeq, %div3A_79, %div3A_84 : vector<16xf32>
      %select_n3A_370 = arith.select %eq3A_369, %broadcast_in_dim3A_87, %select_n3A_368 : vector<16xi1>, vector<16xi32>
      %add3A_371 = arith.addi %add3A_366, %select_n3A_370 : vector<16xi32>
      %gt3A_372 = arith.cmpf ogt, %div3A_80, %div3A_84 : vector<16xf32>
      %select_n3A_373 = arith.select %gt3A_372, %broadcast_in_dim3A_87, %broadcast_in_dim3A_85 : vector<16xi1>, vector<16xi32>
      %eq3A_374 = arith.cmpf oeq, %div3A_80, %div3A_84 : vector<16xf32>
      %select_n3A_375 = arith.select %eq3A_374, %broadcast_in_dim3A_87, %select_n3A_373 : vector<16xi1>, vector<16xi32>
      %add3A_376 = arith.addi %add3A_371, %select_n3A_375 : vector<16xi32>
      %gt3A_377 = arith.cmpf ogt, %div3A_81, %div3A_84 : vector<16xf32>
      %select_n3A_378 = arith.select %gt3A_377, %broadcast_in_dim3A_87, %broadcast_in_dim3A_85 : vector<16xi1>, vector<16xi32>
      %eq3A_379 = arith.cmpf oeq, %div3A_81, %div3A_84 : vector<16xf32>
      %select_n3A_380 = arith.select %eq3A_379, %broadcast_in_dim3A_87, %select_n3A_378 : vector<16xi1>, vector<16xi32>
      %add3A_381 = arith.addi %add3A_376, %select_n3A_380 : vector<16xi32>
      %gt3A_382 = arith.cmpf ogt, %div3A_82, %div3A_84 : vector<16xf32>
      %select_n3A_383 = arith.select %gt3A_382, %broadcast_in_dim3A_87, %broadcast_in_dim3A_85 : vector<16xi1>, vector<16xi32>
      %eq3A_384 = arith.cmpf oeq, %div3A_82, %div3A_84 : vector<16xf32>
      %select_n3A_385 = arith.select %eq3A_384, %broadcast_in_dim3A_87, %select_n3A_383 : vector<16xi1>, vector<16xi32>
      %add3A_386 = arith.addi %add3A_381, %select_n3A_385 : vector<16xi32>
      %gt3A_387 = arith.cmpf ogt, %div3A_83, %div3A_84 : vector<16xf32>
      %select_n3A_388 = arith.select %gt3A_387, %broadcast_in_dim3A_87, %broadcast_in_dim3A_85 : vector<16xi1>, vector<16xi32>
      %eq3A_389 = arith.cmpf oeq, %div3A_83, %div3A_84 : vector<16xf32>
      %select_n3A_390 = arith.select %eq3A_389, %broadcast_in_dim3A_87, %select_n3A_388 : vector<16xi1>, vector<16xi32>
      %add3A_391 = arith.addi %add3A_386, %select_n3A_390 : vector<16xi32>
      %lt3A_392 = arith.constant 2 : i32
      %lt3A_393 = vector.broadcast %lt3A_392 : i32 to vector<16xi32>
      %lt3A_394 = arith.cmpi slt, %add3A_391, %lt3A_393 : vector<16xi32>
      %jit3A_395 = arith.constant 0.000000e+00 : f32
      %broadcast_in_dim3A_396 = vector.broadcast %jit3A_395 : f32 to vector<16xf32>
      %select_n3A_397 = arith.select %lt3A_394, %div3A_84, %broadcast_in_dim3A_396 : vector<16xi1>, vector<16xf32>
      %mul3A_398 = arith.constant 8 : i32
      %mul3A_399 = vector.broadcast %mul3A_398 : i32 to vector<16xi32>
      %mul3A_400 = arith.muli %iota3A, %mul3A_399 : vector<16xi32>
      %add3A_401 = arith.constant 7 : i32
      %add3A_402 = vector.broadcast %add3A_401 : i32 to vector<16xi32>
      %add3A_403 = arith.addi %mul3A_400, %add3A_402 : vector<16xi32>
      tpu.vector_store_idx %arg5[%add3A_403], %select_n3A_397 : memref<128xf32, #tpu.memory_space<vmem>>[vector<16xi32>], vector<16xf32>,
      %mul3A_404 = arith.constant 8 : i32
      %mul3A_405 = arith.muli %mul3A_4, %mul3A_404 : i32
      "tpu.region"() ({
        %run_scoped3A_406 = tpu.sem_alloc : memref<!tpu.dma_semaphore, #tpu.memory_space<semaphore_mem>>
        %dma_start3A = tpu.memref_slice %arg3[%mul3A_405] : memref<1024xf32, #tpu.memory_space<hbm>> -> memref<128xf32, #tpu.memory_space<hbm>>
        %dma_start3A_407 = tpu.memref_slice %arg3[%mul3A_405] : memref<1024xf32, #tpu.memory_space<hbm>> -> memref<128xf32, #tpu.memory_space<hbm>>
        tpu.enqueue_dma source(%arg5 : memref<128xf32, #tpu.memory_space<vmem>>) target(%dma_start3A_407 : memref<128xf32, #tpu.memory_space<hbm>>) target_semaphore(%run_scoped3A_406 : memref<!tpu.dma_semaphore, #tpu.memory_space<semaphore_mem>>)
        %dma_wait3A = tpu.memref_slice %arg3[%mul3A_405] : memref<1024xf32, #tpu.memory_space<hbm>> -> memref<128xf32, #tpu.memory_space<hbm>>
        %dma_wait3A_408 = tpu.memref_slice %arg3[%mul3A_405] : memref<1024xf32, #tpu.memory_space<hbm>> -> memref<128xf32, #tpu.memory_space<hbm>>
        tpu.wait_dma2 semaphore(%run_scoped3A_406 : memref<!tpu.dma_semaphore, #tpu.memory_space<semaphore_mem>>) src(%arg5 : memref<128xf32, #tpu.memory_space<vmem>>) dst(%dma_wait3A_408 : memref<128xf32, #tpu.memory_space<hbm>>)
        tpu.yield
      }) : () -> ()
    } else {
    }
    return
  }
}

module attributes {stable_mosaic.version = 14 : i64} {
  func.func @_gate_body(%arg0: memref<128x1024xf32, #tpu.memory_space<vmem>>, %arg1: memref<8x1024xf32, #tpu.memory_space<vmem>>, %arg2: memref<8x128xf32, #tpu.memory_space<vmem>>) attributes {dimension_semantics = [], scalar_prefetch = 0 : i64, scratch_operands = 0 : i64, tpu.core_type = #tpu.core_type<tc>} {
    %get3A = arith.constant 0 : index
    %get3A_0 = arith.constant 0 : index
    %get3A_1 = vector.load %arg1[%get3A, %get3A_0] : memref<8x1024xf32, #tpu.memory_space<vmem>>, vector<8x1024xf32>
    %get3A_2 = arith.constant 0 : index
    %get3A_3 = arith.constant 0 : index
    %get3A_4 = vector.load %arg0[%get3A_2, %get3A_3] : memref<128x1024xf32, #tpu.memory_space<vmem>>, vector<128x1024xf32>
    %dot_general3A = arith.constant dense<0.000000e+00> : vector<8x128xf32>
    %dot_general3A_5 = tpu.matmul %get3A_1, %get3A_4, %dot_general3A {dimension_numbers = #tpu.dot_dimension_numbers<[1], [1], [0], [0], [0, 0, 1, 0], [], []>, transpose_lhs_hint = false} : vector<8x1024xf32>, vector<128x1024xf32>, vector<8x128xf32> -> vector<8x128xf32>
    %mul3A = arith.constant 0.0333333351 : f32
    %mul3A_6 = vector.broadcast %mul3A : f32 to vector<8x128xf32>
    %mul3A_7 = arith.mulf %dot_general3A_5, %mul3A_6 : vector<8x128xf32>
    %tanh3A = math.tanh %mul3A_7 : vector<8x128xf32>
    %mul3A_8 = arith.constant 3.000000e+01 : f32
    %mul3A_9 = vector.broadcast %mul3A_8 : f32 to vector<8x128xf32>
    %mul3A_10 = arith.mulf %mul3A_9, %tanh3A : vector<8x128xf32>
    %swap3A = arith.constant 0 : index
    %swap3A_11 = arith.constant 0 : index
    %swap3A_12 = vector.load %arg2[%swap3A, %swap3A_11] : memref<8x128xf32, #tpu.memory_space<vmem>>, vector<8x128xf32>
    tpu.vector_store %arg2[%swap3A, %swap3A_11], %mul3A_10 {strides = array<i32>} : memref<8x128xf32, #tpu.memory_space<vmem>>, vector<8x128xf32>,
    return
  }
}

module attributes {stable_mosaic.version = 14 : i64} {
  func.func @_moe_body(%arg0: i32, %arg1: i32, %arg2: memref<128x1024xf32, #tpu.memory_space<vmem>>, %arg3: memref<1x512x1024xf32, #tpu.memory_space<vmem>>, %arg4: memref<1x512x1024xf32, #tpu.memory_space<vmem>>, %arg5: memref<1x512x1024xf32, #tpu.memory_space<vmem>>, %arg6: memref<1x512x1024xf32, #tpu.memory_space<vmem>>, %arg7: memref<1x1024x512xf32, #tpu.memory_space<vmem>>, %arg8: memref<1x1024x512xf32, #tpu.memory_space<vmem>>, %arg9: memref<1x128x1024xf32, #tpu.memory_space<vmem>>) attributes {dimension_semantics = [#tpu.dimension_semantics<arbitrary>, #tpu.dimension_semantics<arbitrary>], iteration_bounds = array<i64: 8, 2>, scalar_prefetch = 0 : i64, scratch_operands = 0 : i64, tpu.core_type = #tpu.core_type<tc>, window_params = [{pipeline_mode = #tpu.pipeline_mode<synchronous>, transform_indices = @transform_0, window_bounds = array<i64: 128, 1024>}, {transform_indices = @transform_1, window_bounds = array<i64: 1, 512, 1024>}, {transform_indices = @transform_2, window_bounds = array<i64: 1, 512, 1024>}, {transform_indices = @transform_3, window_bounds = array<i64: 1, 512, 1024>}, {transform_indices = @transform_4, window_bounds = array<i64: 1, 512, 1024>}, {transform_indices = @transform_5, window_bounds = array<i64: 1, 1024, 512>}, {transform_indices = @transform_6, window_bounds = array<i64: 1, 1024, 512>}, {transform_indices = @transform_7, window_bounds = array<i64: 1, 128, 1024>}]} {
    %get3A = arith.constant 0 : index
    %get3A_0 = arith.constant 0 : index
    %get3A_1 = vector.load %arg2[%get3A, %get3A_0] : memref<128x1024xf32, #tpu.memory_space<vmem>>, vector<128x1024xf32>
    %convert_element_type3A = arith.truncf %get3A_1 : vector<128x1024xf32> to vector<128x1024xbf16>
    %get3A_2 = arith.constant 0 : index
    %get3A_3 = arith.constant 0 : index
    %get3A_4 = arith.constant 0 : index
    %get3A_5 = vector.load %arg3[%get3A_2, %get3A_3, %get3A_4] : memref<1x512x1024xf32, #tpu.memory_space<vmem>>, vector<1x512x1024xf32>
    %get3A_6 = vector.shape_cast %get3A_5 : vector<1x512x1024xf32> to vector<512x1024xf32>
    %convert_element_type3A_7 = arith.truncf %get3A_6 : vector<512x1024xf32> to vector<512x1024xbf16>
    %dot_general3A = arith.constant dense<0.000000e+00> : vector<128x512xf32>
    %dot_general3A_8 = tpu.matmul %convert_element_type3A, %convert_element_type3A_7, %dot_general3A {dimension_numbers = #tpu.dot_dimension_numbers<[1], [1], [0], [0], [0, 0, 1, 0], [], []>, transpose_lhs_hint = false} : vector<128x1024xbf16>, vector<512x1024xbf16>, vector<128x512xf32> -> vector<128x512xf32>
    %get3A_9 = arith.constant 0 : index
    %get3A_10 = arith.constant 0 : index
    %get3A_11 = arith.constant 0 : index
    %get3A_12 = vector.load %arg5[%get3A_9, %get3A_10, %get3A_11] : memref<1x512x1024xf32, #tpu.memory_space<vmem>>, vector<1x512x1024xf32>
    %get3A_13 = vector.shape_cast %get3A_12 : vector<1x512x1024xf32> to vector<512x1024xf32>
    %convert_element_type3A_14 = arith.truncf %get3A_13 : vector<512x1024xf32> to vector<512x1024xbf16>
    %dot_general3A_15 = arith.constant dense<0.000000e+00> : vector<128x512xf32>
    %dot_general3A_16 = tpu.matmul %convert_element_type3A, %convert_element_type3A_14, %dot_general3A_15 {dimension_numbers = #tpu.dot_dimension_numbers<[1], [1], [0], [0], [0, 0, 1, 0], [], []>, transpose_lhs_hint = false} : vector<128x1024xbf16>, vector<512x1024xbf16>, vector<128x512xf32> -> vector<128x512xf32>
    %neg3A = arith.constant 0.000000e+00 : f32
    %neg3A_17 = vector.broadcast %neg3A : f32 to vector<128x512xf32>
    %neg3A_18 = arith.subf %neg3A_17, %dot_general3A_8 : vector<128x512xf32>
    %exp3A = math.exp %neg3A_18 : vector<128x512xf32>
    %add3A = arith.constant 1.000000e+00 : f32
    %add3A_19 = vector.broadcast %add3A : f32 to vector<128x512xf32>
    %add3A_20 = arith.addf %add3A_19, %exp3A : vector<128x512xf32>
    %div3A = arith.constant 1.000000e+00 : f32
    %div3A_21 = vector.broadcast %div3A : f32 to vector<128x512xf32>
    %div3A_22 = arith.divf %div3A_21, %add3A_20 : vector<128x512xf32>
    %mul3A = arith.mulf %dot_general3A_8, %div3A_22 : vector<128x512xf32>
    %mul3A_23 = arith.mulf %mul3A, %dot_general3A_16 : vector<128x512xf32>
    %convert_element_type3A_24 = arith.truncf %mul3A_23 : vector<128x512xf32> to vector<128x512xbf16>
    %get3A_25 = arith.constant 0 : index
    %get3A_26 = arith.constant 0 : index
    %get3A_27 = arith.constant 0 : index
    %get3A_28 = vector.load %arg4[%get3A_25, %get3A_26, %get3A_27] : memref<1x512x1024xf32, #tpu.memory_space<vmem>>, vector<1x512x1024xf32>
    %get3A_29 = vector.shape_cast %get3A_28 : vector<1x512x1024xf32> to vector<512x1024xf32>
    %convert_element_type3A_30 = arith.truncf %get3A_29 : vector<512x1024xf32> to vector<512x1024xbf16>
    %dot_general3A_31 = arith.constant dense<0.000000e+00> : vector<128x512xf32>
    %dot_general3A_32 = tpu.matmul %convert_element_type3A, %convert_element_type3A_30, %dot_general3A_31 {dimension_numbers = #tpu.dot_dimension_numbers<[1], [1], [0], [0], [0, 0, 1, 0], [], []>, transpose_lhs_hint = false} : vector<128x1024xbf16>, vector<512x1024xbf16>, vector<128x512xf32> -> vector<128x512xf32>
    %get3A_33 = arith.constant 0 : index
    %get3A_34 = arith.constant 0 : index
    %get3A_35 = arith.constant 0 : index
    %get3A_36 = vector.load %arg6[%get3A_33, %get3A_34, %get3A_35] : memref<1x512x1024xf32, #tpu.memory_space<vmem>>, vector<1x512x1024xf32>
    %get3A_37 = vector.shape_cast %get3A_36 : vector<1x512x1024xf32> to vector<512x1024xf32>
    %convert_element_type3A_38 = arith.truncf %get3A_37 : vector<512x1024xf32> to vector<512x1024xbf16>
    %dot_general3A_39 = arith.constant dense<0.000000e+00> : vector<128x512xf32>
    %dot_general3A_40 = tpu.matmul %convert_element_type3A, %convert_element_type3A_38, %dot_general3A_39 {dimension_numbers = #tpu.dot_dimension_numbers<[1], [1], [0], [0], [0, 0, 1, 0], [], []>, transpose_lhs_hint = false} : vector<128x1024xbf16>, vector<512x1024xbf16>, vector<128x512xf32> -> vector<128x512xf32>
    %neg3A_41 = arith.constant 0.000000e+00 : f32
    %neg3A_42 = vector.broadcast %neg3A_41 : f32 to vector<128x512xf32>
    %neg3A_43 = arith.subf %neg3A_42, %dot_general3A_32 : vector<128x512xf32>
    %exp3A_44 = math.exp %neg3A_43 : vector<128x512xf32>
    %add3A_45 = arith.constant 1.000000e+00 : f32
    %add3A_46 = vector.broadcast %add3A_45 : f32 to vector<128x512xf32>
    %add3A_47 = arith.addf %add3A_46, %exp3A_44 : vector<128x512xf32>
    %div3A_48 = arith.constant 1.000000e+00 : f32
    %div3A_49 = vector.broadcast %div3A_48 : f32 to vector<128x512xf32>
    %div3A_50 = arith.divf %div3A_49, %add3A_47 : vector<128x512xf32>
    %mul3A_51 = arith.mulf %dot_general3A_32, %div3A_50 : vector<128x512xf32>
    %mul3A_52 = arith.mulf %mul3A_51, %dot_general3A_40 : vector<128x512xf32>
    %convert_element_type3A_53 = arith.truncf %mul3A_52 : vector<128x512xf32> to vector<128x512xbf16>
    %get3A_54 = arith.constant 0 : index
    %get3A_55 = arith.constant 0 : index
    %get3A_56 = arith.constant 0 : index
    %get3A_57 = vector.load %arg7[%get3A_54, %get3A_55, %get3A_56] : memref<1x1024x512xf32, #tpu.memory_space<vmem>>, vector<1x1024x512xf32>
    %get3A_58 = vector.shape_cast %get3A_57 : vector<1x1024x512xf32> to vector<1024x512xf32>
    %convert_element_type3A_59 = arith.truncf %get3A_58 : vector<1024x512xf32> to vector<1024x512xbf16>
    %dot_general3A_60 = arith.constant dense<0.000000e+00> : vector<128x1024xf32>
    %dot_general3A_61 = tpu.matmul %convert_element_type3A_24, %convert_element_type3A_59, %dot_general3A_60 {dimension_numbers = #tpu.dot_dimension_numbers<[1], [1], [0], [0], [0, 0, 1, 0], [], []>, transpose_lhs_hint = false} : vector<128x512xbf16>, vector<1024x512xbf16>, vector<128x1024xf32> -> vector<128x1024xf32>
    %get3A_62 = arith.constant 0 : index
    %get3A_63 = arith.constant 0 : index
    %get3A_64 = arith.constant 0 : index
    %get3A_65 = vector.load %arg8[%get3A_62, %get3A_63, %get3A_64] : memref<1x1024x512xf32, #tpu.memory_space<vmem>>, vector<1x1024x512xf32>
    %get3A_66 = vector.shape_cast %get3A_65 : vector<1x1024x512xf32> to vector<1024x512xf32>
    %convert_element_type3A_67 = arith.truncf %get3A_66 : vector<1024x512xf32> to vector<1024x512xbf16>
    %dot_general3A_68 = arith.constant dense<0.000000e+00> : vector<128x1024xf32>
    %dot_general3A_69 = tpu.matmul %convert_element_type3A_53, %convert_element_type3A_67, %dot_general3A_68 {dimension_numbers = #tpu.dot_dimension_numbers<[1], [1], [0], [0], [0, 0, 1, 0], [], []>, transpose_lhs_hint = false} : vector<128x512xbf16>, vector<1024x512xbf16>, vector<128x1024xf32> -> vector<128x1024xf32>
    %add3A_70 = arith.addf %dot_general3A_61, %dot_general3A_69 : vector<128x1024xf32>
    %eq3A = arith.constant 0 : i32
    %eq3A_71 = arith.cmpi eq, %arg1, %eq3A : i32
    %convert_element_type3A_72 = arith.extui %eq3A_71 : i1 to i32
    %cond3A = arith.constant 0 : i32
    %cond3A_73 = arith.cmpi ne, %convert_element_type3A_72, %cond3A : i32
    scf.if %cond3A_73 {
      %swap3A = arith.constant 0 : index
      %swap3A_78 = arith.constant 0 : index
      %swap3A_79 = arith.constant 0 : index
      %swap3A_80 = vector.load %arg9[%swap3A, %swap3A_78, %swap3A_79] : memref<1x128x1024xf32, #tpu.memory_space<vmem>>, vector<1x128x1024xf32>
      %swap3A_81 = vector.shape_cast %swap3A_80 : vector<1x128x1024xf32> to vector<128x1024xf32>
      %swap3A_82 = vector.shape_cast %add3A_70 : vector<128x1024xf32> to vector<1x128x1024xf32>
      tpu.vector_store %arg9[%swap3A, %swap3A_78, %swap3A_79], %swap3A_82 {strides = array<i32>} : memref<1x128x1024xf32, #tpu.memory_space<vmem>>, vector<1x128x1024xf32>,
    } else {
    }
    %ne3A = arith.constant 0 : i32
    %ne3A_74 = arith.cmpi ne, %arg1, %ne3A : i32
    %convert_element_type3A_75 = arith.extui %ne3A_74 : i1 to i32
    %cond3A_76 = arith.constant 0 : i32
    %cond3A_77 = arith.cmpi ne, %convert_element_type3A_75, %cond3A_76 : i32
    scf.if %cond3A_77 {
      %get3A_78 = arith.constant 0 : index
      %get3A_79 = arith.constant 0 : index
      %get3A_80 = arith.constant 0 : index
      %get3A_81 = vector.load %arg9[%get3A_78, %get3A_79, %get3A_80] : memref<1x128x1024xf32, #tpu.memory_space<vmem>>, vector<1x128x1024xf32>
      %get3A_82 = vector.shape_cast %get3A_81 : vector<1x128x1024xf32> to vector<128x1024xf32>
      %add3A_83 = arith.addf %get3A_82, %add3A_70 : vector<128x1024xf32>
      %swap3A = arith.constant 0 : index
      %swap3A_84 = arith.constant 0 : index
      %swap3A_85 = arith.constant 0 : index
      %swap3A_86 = vector.load %arg9[%swap3A, %swap3A_84, %swap3A_85] : memref<1x128x1024xf32, #tpu.memory_space<vmem>>, vector<1x128x1024xf32>
      %swap3A_87 = vector.shape_cast %swap3A_86 : vector<1x128x1024xf32> to vector<128x1024xf32>
      %swap3A_88 = vector.shape_cast %add3A_83 : vector<128x1024xf32> to vector<1x128x1024xf32>
      tpu.vector_store %arg9[%swap3A, %swap3A_84, %swap3A_85], %swap3A_88 {strides = array<i32>} : memref<1x128x1024xf32, #tpu.memory_space<vmem>>, vector<1x128x1024xf32>,
    } else {
    }
    return
  }
  func.func @transform_0(%arg0: i32, %arg1: i32) -> (i32, i32) {
    %c0_i32 = arith.constant 0 : i32
    %c0_i32_0 = arith.constant 0 : i32
    %c0_i32_1 = arith.constant 0 : i32
    return %c0_i32, %c0_i32_0 : i32, i32
  }
  func.func @transform_1(%arg0: i32, %arg1: i32) -> (i32, i32, i32) {
    %mul3A = arith.constant 2 : i32
    %mul3A_0 = arith.muli %mul3A, %arg1 : i32
    %c0_i32 = arith.constant 0 : i32
    %c0_i32_1 = arith.constant 0 : i32
    return %arg0, %mul3A_0, %c0_i32 : i32, i32, i32
  }
  func.func @transform_2(%arg0: i32, %arg1: i32) -> (i32, i32, i32) {
    %mul3A = arith.constant 2 : i32
    %mul3A_0 = arith.muli %mul3A, %arg1 : i32
    %add3A = arith.constant 1 : i32
    %add3A_1 = arith.addi %mul3A_0, %add3A : i32
    %c0_i32 = arith.constant 0 : i32
    %c0_i32_2 = arith.constant 0 : i32
    return %arg0, %add3A_1, %c0_i32 : i32, i32, i32
  }
  func.func @transform_3(%arg0: i32, %arg1: i32) -> (i32, i32, i32) {
    %mul3A = arith.constant 2 : i32
    %mul3A_0 = arith.muli %mul3A, %arg1 : i32
    %c0_i32 = arith.constant 0 : i32
    %c0_i32_1 = arith.constant 0 : i32
    return %arg0, %mul3A_0, %c0_i32 : i32, i32, i32
  }
  func.func @transform_4(%arg0: i32, %arg1: i32) -> (i32, i32, i32) {
    %mul3A = arith.constant 2 : i32
    %mul3A_0 = arith.muli %mul3A, %arg1 : i32
    %add3A = arith.constant 1 : i32
    %add3A_1 = arith.addi %mul3A_0, %add3A : i32
    %c0_i32 = arith.constant 0 : i32
    %c0_i32_2 = arith.constant 0 : i32
    return %arg0, %add3A_1, %c0_i32 : i32, i32, i32
  }
  func.func @transform_5(%arg0: i32, %arg1: i32) -> (i32, i32, i32) {
    %mul3A = arith.constant 2 : i32
    %mul3A_0 = arith.muli %mul3A, %arg1 : i32
    %c0_i32 = arith.constant 0 : i32
    %c0_i32_1 = arith.constant 0 : i32
    return %arg0, %c0_i32, %mul3A_0 : i32, i32, i32
  }
  func.func @transform_6(%arg0: i32, %arg1: i32) -> (i32, i32, i32) {
    %mul3A = arith.constant 2 : i32
    %mul3A_0 = arith.muli %mul3A, %arg1 : i32
    %add3A = arith.constant 1 : i32
    %add3A_1 = arith.addi %mul3A_0, %add3A : i32
    %c0_i32 = arith.constant 0 : i32
    %c0_i32_2 = arith.constant 0 : i32
    return %arg0, %c0_i32, %add3A_1 : i32, i32, i32
  }
  func.func @transform_7(%arg0: i32, %arg1: i32) -> (i32, i32, i32) {
    %c0_i32 = arith.constant 0 : i32
    %c0_i32_0 = arith.constant 0 : i32
    %c0_i32_1 = arith.constant 0 : i32
    return %arg0, %c0_i32, %c0_i32_0 : i32, i32, i32
  }
}

module attributes {stable_mosaic.version = 14 : i64} {
  func.func @_combine_body(%arg0: memref<8x128x1024xf32, #tpu.memory_space<vmem>>, %arg1: memref<128x8xf32, #tpu.memory_space<vmem>>, %arg2: memref<128x1024xf32, #tpu.memory_space<vmem>>) attributes {dimension_semantics = [], scalar_prefetch = 0 : i64, scratch_operands = 0 : i64, tpu.core_type = #tpu.core_type<tc>} {
    %get3A = arith.constant 0 : index
    %get3A_0 = arith.constant 0 : index
    %get3A_1 = vector.load %arg1[%get3A, %get3A_0] : memref<128x8xf32, #tpu.memory_space<vmem>>, vector<128x1xf32>
    %get3A_2 = arith.constant 0 : index
    %get3A_3 = arith.constant 0 : index
    %get3A_4 = arith.constant 0 : index
    %get3A_5 = vector.load %arg0[%get3A_2, %get3A_3, %get3A_4] : memref<8x128x1024xf32, #tpu.memory_space<vmem>>, vector<1x128x1024xf32>
    %get3A_6 = vector.shape_cast %get3A_5 : vector<1x128x1024xf32> to vector<128x1024xf32>
    %mul3A = vector.broadcast %get3A_1 : vector<128x1xf32> to vector<128x1024xf32>
    %mul3A_7 = arith.mulf %mul3A, %get3A_6 : vector<128x1024xf32>
    %get3A_8 = arith.constant 0 : index
    %get3A_9 = arith.constant 1 : index
    %get3A_10 = vector.load %arg1[%get3A_8, %get3A_9] : memref<128x8xf32, #tpu.memory_space<vmem>>, vector<128x1xf32>
    %get3A_11 = arith.constant 1 : index
    %get3A_12 = arith.constant 0 : index
    %get3A_13 = arith.constant 0 : index
    %get3A_14 = vector.load %arg0[%get3A_11, %get3A_12, %get3A_13] : memref<8x128x1024xf32, #tpu.memory_space<vmem>>, vector<1x128x1024xf32>
    %get3A_15 = vector.shape_cast %get3A_14 : vector<1x128x1024xf32> to vector<128x1024xf32>
    %mul3A_16 = vector.broadcast %get3A_10 : vector<128x1xf32> to vector<128x1024xf32>
    %mul3A_17 = arith.mulf %mul3A_16, %get3A_15 : vector<128x1024xf32>
    %add3A = arith.addf %mul3A_7, %mul3A_17 : vector<128x1024xf32>
    %get3A_18 = arith.constant 0 : index
    %get3A_19 = arith.constant 2 : index
    %get3A_20 = vector.load %arg1[%get3A_18, %get3A_19] : memref<128x8xf32, #tpu.memory_space<vmem>>, vector<128x1xf32>
    %get3A_21 = arith.constant 2 : index
    %get3A_22 = arith.constant 0 : index
    %get3A_23 = arith.constant 0 : index
    %get3A_24 = vector.load %arg0[%get3A_21, %get3A_22, %get3A_23] : memref<8x128x1024xf32, #tpu.memory_space<vmem>>, vector<1x128x1024xf32>
    %get3A_25 = vector.shape_cast %get3A_24 : vector<1x128x1024xf32> to vector<128x1024xf32>
    %mul3A_26 = vector.broadcast %get3A_20 : vector<128x1xf32> to vector<128x1024xf32>
    %mul3A_27 = arith.mulf %mul3A_26, %get3A_25 : vector<128x1024xf32>
    %add3A_28 = arith.addf %add3A, %mul3A_27 : vector<128x1024xf32>
    %get3A_29 = arith.constant 0 : index
    %get3A_30 = arith.constant 3 : index
    %get3A_31 = vector.load %arg1[%get3A_29, %get3A_30] : memref<128x8xf32, #tpu.memory_space<vmem>>, vector<128x1xf32>
    %get3A_32 = arith.constant 3 : index
    %get3A_33 = arith.constant 0 : index
    %get3A_34 = arith.constant 0 : index
    %get3A_35 = vector.load %arg0[%get3A_32, %get3A_33, %get3A_34] : memref<8x128x1024xf32, #tpu.memory_space<vmem>>, vector<1x128x1024xf32>
    %get3A_36 = vector.shape_cast %get3A_35 : vector<1x128x1024xf32> to vector<128x1024xf32>
    %mul3A_37 = vector.broadcast %get3A_31 : vector<128x1xf32> to vector<128x1024xf32>
    %mul3A_38 = arith.mulf %mul3A_37, %get3A_36 : vector<128x1024xf32>
    %add3A_39 = arith.addf %add3A_28, %mul3A_38 : vector<128x1024xf32>
    %get3A_40 = arith.constant 0 : index
    %get3A_41 = arith.constant 4 : index
    %get3A_42 = vector.load %arg1[%get3A_40, %get3A_41] : memref<128x8xf32, #tpu.memory_space<vmem>>, vector<128x1xf32>
    %get3A_43 = arith.constant 4 : index
    %get3A_44 = arith.constant 0 : index
    %get3A_45 = arith.constant 0 : index
    %get3A_46 = vector.load %arg0[%get3A_43, %get3A_44, %get3A_45] : memref<8x128x1024xf32, #tpu.memory_space<vmem>>, vector<1x128x1024xf32>
    %get3A_47 = vector.shape_cast %get3A_46 : vector<1x128x1024xf32> to vector<128x1024xf32>
    %mul3A_48 = vector.broadcast %get3A_42 : vector<128x1xf32> to vector<128x1024xf32>
    %mul3A_49 = arith.mulf %mul3A_48, %get3A_47 : vector<128x1024xf32>
    %add3A_50 = arith.addf %add3A_39, %mul3A_49 : vector<128x1024xf32>
    %get3A_51 = arith.constant 0 : index
    %get3A_52 = arith.constant 5 : index
    %get3A_53 = vector.load %arg1[%get3A_51, %get3A_52] : memref<128x8xf32, #tpu.memory_space<vmem>>, vector<128x1xf32>
    %get3A_54 = arith.constant 5 : index
    %get3A_55 = arith.constant 0 : index
    %get3A_56 = arith.constant 0 : index
    %get3A_57 = vector.load %arg0[%get3A_54, %get3A_55, %get3A_56] : memref<8x128x1024xf32, #tpu.memory_space<vmem>>, vector<1x128x1024xf32>
    %get3A_58 = vector.shape_cast %get3A_57 : vector<1x128x1024xf32> to vector<128x1024xf32>
    %mul3A_59 = vector.broadcast %get3A_53 : vector<128x1xf32> to vector<128x1024xf32>
    %mul3A_60 = arith.mulf %mul3A_59, %get3A_58 : vector<128x1024xf32>
    %add3A_61 = arith.addf %add3A_50, %mul3A_60 : vector<128x1024xf32>
    %get3A_62 = arith.constant 0 : index
    %get3A_63 = arith.constant 6 : index
    %get3A_64 = vector.load %arg1[%get3A_62, %get3A_63] : memref<128x8xf32, #tpu.memory_space<vmem>>, vector<128x1xf32>
    %get3A_65 = arith.constant 6 : index
    %get3A_66 = arith.constant 0 : index
    %get3A_67 = arith.constant 0 : index
    %get3A_68 = vector.load %arg0[%get3A_65, %get3A_66, %get3A_67] : memref<8x128x1024xf32, #tpu.memory_space<vmem>>, vector<1x128x1024xf32>
    %get3A_69 = vector.shape_cast %get3A_68 : vector<1x128x1024xf32> to vector<128x1024xf32>
    %mul3A_70 = vector.broadcast %get3A_64 : vector<128x1xf32> to vector<128x1024xf32>
    %mul3A_71 = arith.mulf %mul3A_70, %get3A_69 : vector<128x1024xf32>
    %add3A_72 = arith.addf %add3A_61, %mul3A_71 : vector<128x1024xf32>
    %get3A_73 = arith.constant 0 : index
    %get3A_74 = arith.constant 7 : index
    %get3A_75 = vector.load %arg1[%get3A_73, %get3A_74] : memref<128x8xf32, #tpu.memory_space<vmem>>, vector<128x1xf32>
    %get3A_76 = arith.constant 7 : index
    %get3A_77 = arith.constant 0 : index
    %get3A_78 = arith.constant 0 : index
    %get3A_79 = vector.load %arg0[%get3A_76, %get3A_77, %get3A_78] : memref<8x128x1024xf32, #tpu.memory_space<vmem>>, vector<1x128x1024xf32>
    %get3A_80 = vector.shape_cast %get3A_79 : vector<1x128x1024xf32> to vector<128x1024xf32>
    %mul3A_81 = vector.broadcast %get3A_75 : vector<128x1xf32> to vector<128x1024xf32>
    %mul3A_82 = arith.mulf %mul3A_81, %get3A_80 : vector<128x1024xf32>
    %add3A_83 = arith.addf %add3A_72, %mul3A_82 : vector<128x1024xf32>
    %swap3A = arith.constant 0 : index
    %swap3A_84 = arith.constant 0 : index
    %swap3A_85 = vector.load %arg2[%swap3A, %swap3A_84] : memref<128x1024xf32, #tpu.memory_space<vmem>>, vector<128x1024xf32>
    tpu.vector_store %arg2[%swap3A, %swap3A_84], %add3A_83 {strides = array<i32>} : memref<128x1024xf32, #tpu.memory_space<vmem>>, vector<128x1024xf32>,
    return
  }
}

</mosaic_0001>

<sc_bundles>
// kernel: kernel.6.cloned.1.call-start
scs
__scs_entry_jumppad:
0x0: {  	(pc) =	sbr.rel $0x88, $3  }
0x1: {  	(tag) =	ssettag $0x0;
	lr =	simm.s32 $0x1  }
0x2: {  	[smem:$0x3F9C] =	sst lr;
	_ =	strace $0xD0000000  }
0x3: {  	_ = 	snop  }
0x4: {  	_ = 	snop  }
0x5: {  	_ = 	snop  }
0x6: {  	_ = 	snop  }
0x7: {  	_ = 	snop  }
__scs_overlays_trampoline_lowered:
0x8: {  	[smem:$0x3FAB] =	sst s0  }
0x9: {  	[smem:$0x3FAC] =	sst s1  }
0xa: {  	[smem:$0x3FAD] =	sst s2  }
0xb: {  	[smem:$0x3FAE] =	sst s3  }
0xc: {  	[smem:$0x3FAF] =	sst s4  }
0xd: {  	[smem:$0x3FB0] =	sst s5  }
0xe: {  	[smem:$0x3FB1] =	sst s6  }
0xf: {  	[smem:$0x3FB2] =	sst s7  }
0x10: {  	[smem:$0x3FB3] =	sst s8  }
0x11: {  	[smem:$0x3FB4] =	sst s9;
	s0 =	simm.s32 @!p0 $0x0  }
0x12: {  	s1 =	sld [smem:$0x3F9A];
	s0 =	simm.s32 @p0 $0x1  }
0x13: {  	[smem:$0x3FB5] =	sst s0;
	s0 =	simm.s32 @!p1 $0x0  }
0x14: {  	s2 =	sld [smem:$0x3F99];
	s0 =	simm.s32 @p1 $0x1  }
0x15: {  	[smem:$0x3FB6] =	sst s0;
	s0 =	simm.s32 @!p2 $0x0  }
0x16: {  	s3 =	sld [smem:$0x3FDB];
	s0 =	simm.s32 @p2 $0x1  }
0x17: {  	s4 =	simm.s32 $0x1BF5;
	[smem:$0x3FB8] =	sst s0  }
0x18: {  	s0 =	sld [smem:$0x3F9B];
	_ =	swait.ge [sflag:s4], $0x0  }
0x19: {  	s7 =	sld [smem:$0x3F9C]  }
0x1a: {  	s8 =	sadd.s32 $0xFFFFE003, lr  }
0x1b: {  	s9 =	sadd.s32 $0xFFFFFEF7, lr;
	s5 =	simm.s32 $0xFFFFFFFF;
	p2 =	slt.u32 s8, $0xFFFFF086  }
0x1c: {  	p1 =	slt.u32 s9, $0xF7A;
	s5 =	simm.s32 @!p2 $0x0  }
0x1d: {  	s5 =	simm.s32 @p1 $0x1;
	p0 =	seq.s32 s7, s2  }
0x1e: {  	s7 =	smul.u32 @!p0 $0xF7A, s2;
	p2 =	seq.s32 @!p0 s5, $0x0  }
0x1f: {  	s9 =	smul.u32 $0xF7A, s1;
	s8 =	simm.s32 @!p0 $0x1BF5;
	p2 =	por !p2, p0  }
0x20: {  	[sflag:s8] =	ssyncset.s32 @!p0 $0xFFFFF086;
	s6 =	sadd.s32 @!p0 s3, s7;
	s7 =	simm.s32 @!p0 $0x108  }
0x21: {  	s3 =	sadd.s32 s3, s9;
	s6 =	sadd.s32 @!p0 $0x88, s6;
	s7 =	simm.s32 @p2 $0x1082  }
0x22: {  	[simem:s7], [sflag:s8] =	dma.local @!p0 [hbm:s6], $0xF7A  }
0x23: {  	s9 =	sor.u32 $0xD0000000, s2;
	s6 =	simm.s32 $0x108;
	_ =	swait.ge @!p0 [sflag:s8], $0x0  }
0x24: {  	s3 =	sadd.s32 $0x88, s3;
	s6 =	simm.s32 @!p1 $0x1082;
	[sflag:s4] =	ssyncset.s32 $0xFFFFF086  }
0x25: {  	[simem:s6], [sflag:s4] =	dma.local [hbm:s3], $0xF7A  }
0x26: {  	[smem:$0x3F9C] =	sst s1;
	(tag) =	ssettag s2;
	_ =	strace s9  }
0x27: {  	s1 =	sld [smem:$0x3FAC]  }
0x28: {  	s2 =	sld [smem:$0x3FAD]  }
0x29: {  	s4 =	sld [smem:$0x3FAF]  }
0x2a: {  	p0 =	seq.s32 s5, $0x0;
	s5 =	sld [smem:$0x3FB0]  }
0x2b: {  	s6 =	sld [smem:$0x3FB1]  }
0x2c: {  	s7 =	sld [smem:$0x3FB2]  }
0x2d: {  	s3 =	simm.s32 $0x108;
	s8 =	sld [smem:$0x3FB3]  }
0x2e: {  	s3 =	simm.s32 @!p0 $0x1082;
	s9 =	sld [smem:$0x3FB4]  }
0x2f: {  	lr =	sadd.s32 s0, s3;
	s0 =	sld [smem:$0x3FAB]  }
0x30: {  	s3 =	sld [smem:$0x3FAE]  }
0x31: {  	[smem:$0x3FB7] =	sst s10  }
0x32: {  	s10 =	sld [smem:$0x3FB5];
	_ =	sdelay $0x3  }
0x33: {  	p0 =	seq.s32 s10, $0x1;
	s10 =	sld [smem:$0x3FB7];
	_ =	sdelay $0x3  }
0x34: {  	[smem:$0x3FB7] =	sst s10  }
0x35: {  	s10 =	sld [smem:$0x3FB6];
	_ =	sdelay $0x3  }
0x36: {  	p1 =	seq.s32 s10, $0x1;
	s10 =	sld [smem:$0x3FB7];
	_ =	sdelay $0x3  }
0x37: {  	[smem:$0x3FB7] =	sst s10  }
0x38: {  	s10 =	sld [smem:$0x3FB8]  }
0x39: {  	_ = 	snop;
	(pc) =	sbr.ind lr, $3  }
0x3a: {  	_ = 	snop  }
0x3b: {  	_ = 	snop  }
0x3c: {  	p2 =	seq.s32 s10, $0x1;
	s10 =	sld [smem:$0x3FB7]  }
0x3d: {  	_ =	shalt  }
0x3e: {  	_ =	shalt  }
0x3f: {  	_ =	shalt  }
0x40: {  	_ =	shalt  }
0x41: {  	_ =	shalt  }
0x42: {  	_ =	shalt  }
0x43: {  	_ =	shalt  }
0x44: {  	_ =	shalt  }
0x45: {  	_ =	shalt  }
0x46: {  	_ =	shalt  }
0x47: {  	_ =	shalt  }
0x48: {  	_ =	shalt  }
0x49: {  	_ =	shalt  }
0x4a: {  	_ =	shalt  }
0x4b: {  	_ =	shalt  }
0x4c: {  	_ =	shalt  }
0x4d: {  	_ =	shalt  }
0x4e: {  	_ =	shalt  }
0x4f: {  	_ =	shalt  }
0x50: {  	_ =	shalt  }
0x51: {  	_ =	shalt  }
0x52: {  	_ =	shalt  }
0x53: {  	_ =	shalt  }
0x54: {  	_ =	shalt  }
0x55: {  	_ =	shalt  }
0x56: {  	_ =	shalt  }
0x57: {  	_ =	shalt  }
0x58: {  	_ =	shalt  }
0x59: {  	_ =	shalt  }
0x5a: {  	_ =	shalt  }
0x5b: {  	_ =	shalt  }
0x5c: {  	_ =	shalt  }
0x5d: {  	_ =	shalt  }
0x5e: {  	_ =	shalt  }
0x5f: {  	_ =	shalt  }
0x60: {  	_ =	shalt  }
0x61: {  	_ =	shalt  }
0x62: {  	_ =	shalt  }
0x63: {  	_ =	shalt  }
0x64: {  	_ =	shalt  }
0x65: {  	_ =	shalt  }
0x66: {  	_ =	shalt  }
0x67: {  	_ =	shalt  }
0x68: {  	_ =	shalt  }
0x69: {  	_ =	shalt  }
0x6a: {  	_ =	shalt  }
0x6b: {  	_ =	shalt  }
0x6c: {  	_ =	shalt  }
0x6d: {  	_ =	shalt  }
0x6e: {  	_ =	shalt  }
0x6f: {  	_ =	shalt  }
0x70: {  	_ =	shalt  }
0x71: {  	_ =	shalt  }
0x72: {  	_ =	shalt  }
0x73: {  	_ =	shalt  }
0x74: {  	_ =	shalt  }
0x75: {  	_ =	shalt  }
0x76: {  	_ =	shalt  }
0x77: {  	_ =	shalt  }
0x78: {  	_ =	shalt  }
0x79: {  	_ =	shalt  }
0x7a: {  	_ =	shalt  }
0x7b: {  	_ =	shalt  }
0x7c: {  	_ =	shalt  }
0x7d: {  	_ =	shalt  }
0x7e: {  	_ =	shalt  }
0x7f: {  	_ =	shalt  }
0x80: {  	_ =	shalt  }
0x81: {  	_ =	shalt  }
0x82: {  	_ =	shalt  }
0x83: {  	_ =	shalt  }
0x84: {  	_ =	shalt  }
0x85: {  	_ =	shalt  }
0x86: {  	_ =	shalt  }
0x87: {  	_ =	shalt  }
.Lfunc_end0:
.L_simem_size_0:
called_computation_lowered:
.L_overlay_start_0:
0x88: {  	s2 =	sld [smem:$0x3FD9]  }
0x89: {  	s3 =	sld [smem:$0x3FFE];
	_ =	sdelay $0x1  }
0x8a: {  	s1 =	srdreg.scid  }
0x8b: {  	s0 =	sand.u32 $0x1, s1  }
0x8c: {  	s17 =	sshll.u32 s0, $0xA;
	s2 =	sadd.s32 s3, s2  }
0x8d: {  	s2 =	sadd.s32 s2, s17  }
0x8e: {  	[smem:$0x3FC3] =	sst s2  }
0x8f: {  	_ = 	snop  }
0x90: {  	s2 =	sld [smem:$0x3FD0];
	(tm) =	ssettm $0x1  }
0x91: {  	s18 =	sld [smem:$0x3FFB];
	_ =	sdelay $0x3  }
0x92: {  	_ =	strace s18  }
0x93: {  	s3 =	sld [smem:$0x3FFC];
	_ =	sdelay $0x3  }
0x94: {  	_ =	strace s3  }
0x95: {  	s3 =	sld [smem:$0x3FFD];
	_ =	sdelay $0x3  }
0x96: {  	_ =	strace s3  }
0x97: {  	_ =	strace $0x8FFFFFFF  }
0x98: {  	s19 =	sld [smem:$0x3FDB];
	_ =	sdelay $0x1  }
0x99: {  	s4 =	simm.s32 $_scs_section_size  }
0x9a: {  	s5 =	simm.s32 $_size__tile_overlayer_lowered;
	s6 =	simm.s32 $_tile_overlayer_lowered  }
0x9b: {  	s22 =	simm.s32 $0x1BFF;
	s21 =	sshll.u32 s6, $0x1;
	s3 =	sadd.s32 s4, s19  }
0x9c: {  	s7 =	simm.s32 $0x0;
	s20 =	sshll.u32 s5, $0x1;
	s5 =	sadd.s32 s21, s3  }
0x9d: {  	[timem:s7], [sflag:s22] =	dma.local [hbm:s5], s20  }
0x9e: {  	_ =	swait.ge [sflag:s22], s20  }
0x9f: {  	s4 =	ssub.s32 $0x0, s20;
	[sflag:s22] =	ssyncset.done $0x0  }
0xa0: {  	[sflag:s22] =	ssyncadd.s32 s4;
	_ =	sdelay $0x1  }
0xa1: {  	s23 =	simm.s32 $0x1B8B  }
0xa2: {  	_ =	swait.ge [sflag:s23], $0x1  }
0xa3: {  	[sflag:s23] =	ssyncset.done $0x0  }
0xa4: {  	s25 =	simm.s32 $0x1B8E;
	s24 =	sld [smem:$0x3FFE];
	[sflag:s23] =	ssyncadd.s32 $0xFFFFFFFF  }
0xa5: {  	s26 =	simm.s32 $execute0_lowered;
	[smem:$0x3FD2] =	sst s25  }
0xa6: {  	s5 =	sshll.u32 s26, $0x1;
	_ =	strace $0x80000046;
	[dreg:$0x1] =	wrdreg $0xFFFFFFFF  }
0xa7: {  	s28 =	simm.s32 $_size_execute0_lowered;
	s3 =	sadd.s32 s3, s5;
	[dreg:$0x0] =	wrdreg $0x0  }
0xa8: {  	s5 =	sshll.u32 s28, $0x1;
	[dreg:$0x2] =	wrdreg s3  }
0xa9: {  	[dreg:$0x3] =	wrdreg s5  }
0xaa: {  	[dreg:$0x4] =	wrdreg $0xC0  }
0xab: {  	_ =	task [dreg:s7], $0x5FFFF  }
0xac: {  	[dreg:$0x1] =	wrdreg $0xFFFFFFFF  }
0xad: {  	[dreg:$0x0] =	wrdreg $0x60  }
0xae: {  	[dreg:$0x2] =	wrdreg s2  }
0xaf: {  	[dreg:$0x3] =	wrdreg s24  }
0xb0: {  	[dreg:$0x4] =	wrdreg $0x9  }
0xb1: {  	_ =	task.clear_ibuf [dreg:s7], $0x5FFFF;
	_ =	strace $0x90000046  }
0xb2: {  	s29 =	simm.s32 $0x9;
	_ =	strace $0x80000048  }
0xb3: {  	_ =	swait.ge [sflag:s29], $0x1  }
0xb4: {  	[sflag:s29] =	ssyncadd.s32 $0xFFFFFFFF  }
0xb5: {  	_ =	strace $0x90000048  }
0xb6: {  	_ =	sfence  }
0xb7: {  	s30 =	sld [smem:$0x0];
	_ =	sdelay $0x2  }
0xb8: {  	s31 =	sshll.u32 s1, $0xD;
	s1 =	sshrl.u32 s1, $0x2  }
0xb9: {  	s3 =	sand.u32 $0x4000, s31;
	s1 =	sadd.s32 s1, s30  }
0xba: {  	s0 =	sor.u32 s3, s0;
	s1 =	sshll.u32 s1, $0x11  }
0xbb: {  	s0 =	sor.u32 s1, s0  }
0xbc: {  	s0 =	sadd.s32 $0x8F2B, s0  }
0xbd: {  	[sflag:s0] =	ssyncadd.remote.s32 $0x1  }
0xbe: {  	_ =	sfence.sel $0xFFFF  }
0xbf: {  	[dreg:$0x0] =	wrdreg $0xFFFFFFFF;
	(pc) =	sbr.abs _section_cstart, $3  }
0xc0: {  	[dreg:$0x1] =	wrdreg $0xFFFFFFFF  }
0xc1: {  	_ =	task.clear_ibuf [dreg:s7], $0x2FFFF;
	_ =	strace $0x9FFFFFFF  }
0xc2: {  	(tm) =	ssettm $0x7FFFFFFF  }
0xc3: {  	_ =	shalt  }
tec
execute0_lowered:
.L_overlay_start_1:
0x0: {  	(tag) =	ssettag $0x1  }
0x1: {  	s1 =	stileid.u32  }
0x2: {  	p0 =	sgt.u32 s1, $0x3  }
.Ltmp0:
0x3: {  	_ = 	snop;
	(pc) =	sbr.rel @p0 .LBB2_3-.Ltmp0, $4  }
0x4: {  	s11 =	rddreg [dreg:$0x0]  }
0x5: {  	s3 =	rddreg [dreg:$0x1];
	s2 =	simm.s32 $0x0  }
0x6: {  	[smem:$0x7FF] =	sst s2  }
0x7: {  	s0 =	rddreg [dreg:$0x2];
	_ =	strace $0x80000047  }
0x8: {  	s4 =	srdreg.scid;
	s31 =	sshll.u32 s1, $0x1;
	s15 =	simm.s32 $0x100  }
0x9: {  	s16 =	simm.s32 $0x180;
	s17 =	simm.s32 $0x200;
	s18 =	simm.s32 $0x280  }
0xa: {  	s19 =	simm.s32 $0x300;
	s20 =	simm.s32 $0x380;
	s6 =	sand.u32 $0x1, s4  }
0xb: {  	s21 =	simm.s32 $0x400;
	s4 =	sor.u32 s6, s31;
	s13 =	ssub.s32 $0x2, s6  }
0xc: {  	v0 =	vlaneseq.u32;
	s12 =	sshll.u32 s4, $0x1;
	s4 =	sshll.u32 s4, $0x4;
	s14 =	sshrl.u32 s13, $0x1  }
0xd: {  	v0 =	vmul.u32 $0x8, v0;
	s9 =	sadd.s32 s12, s11;
	s10 =	sadd.s32 s4, s3;
	s13 =	ssub.s32 s13, s14  }
0xe: {  	s11 =	sadd.s32 s11, s12;
	s14 =	simm.s32 $0x80;
	s3 =	sadd.s32 $0x10, s9  }
0xf: {  	v1 =	vimm.s32 $0x0;
	v2 =	vor.u32 $0x1, v0;
	s4 =	sadd.s32 $0x20, s9;
	s5 =	sadd.s32 $0x30, s9;
	s6 =	sadd.s32 $0x40, s9  }
0x10: {  	v3 =	vor.u32 $0x2, v0;
	v4 =	vor.u32 $0x3, v0;
	v5 =	vor.u32 $0x4, v0;
	s7 =	sadd.s32 $0x50, s9;
	s8 =	sadd.s32 $0x60, s9;
	s9 =	sadd.s32 $0x70, s9  }
0x11: {  	v6 =	vor.u32 $0x5, v0;
	v7 =	vor.u32 $0x6, v0;
	v8 =	vor.u32 $0x7, v0;
	s10 =	sadd.s32 $0xA00, s10;
	s12 =	smax.u32 s13, $0x1;
	s13 =	simm.s32 $0x1  }
.LBB2_2:
0x12: {  	[tilespmem:s2], [sflag:$0x1] =	stream.linear.gather [hbm4b:s11+s2], $0x10, $0x38;
	[tilespmem:$0x480] =	vst v63  }
0x13: {  	_ =	swait.ge [sflag:s13], $0x10  }
0x14: {  	[sflag:s13] =	ssyncset.done $0x0  }
0x15: {  	[sflag:s13] =	ssyncadd.s32 $0xFFFFFFF0  }
0x16: {  	[tilespmem:s14], [sflag:$0x1] =	stream.linear.gather [hbm4b:s3+s2], $0x10, $0x38;
	[tilespmem:$0x480] =	vst v63  }
0x17: {  	_ =	swait.ge [sflag:s13], $0x10  }
0x18: {  	[sflag:s13] =	ssyncset.done $0x0  }
0x19: {  	[sflag:s13] =	ssyncadd.s32 $0xFFFFFFF0  }
0x1a: {  	[tilespmem:s15], [sflag:$0x1] =	stream.linear.gather [hbm4b:s4+s2], $0x10, $0x38;
	[tilespmem:$0x480] =	vst v63  }
0x1b: {  	_ =	swait.ge [sflag:s13], $0x10  }
0x1c: {  	[sflag:s13] =	ssyncset.done $0x0  }
0x1d: {  	[sflag:s13] =	ssyncadd.s32 $0xFFFFFFF0  }
0x1e: {  	[tilespmem:s16], [sflag:$0x1] =	stream.linear.gather [hbm4b:s5+s2], $0x10, $0x38;
	[tilespmem:$0x480] =	vst v63  }
0x1f: {  	_ =	swait.ge [sflag:s13], $0x10  }
0x20: {  	[sflag:s13] =	ssyncset.done $0x0  }
0x21: {  	[sflag:s13] =	ssyncadd.s32 $0xFFFFFFF0  }
0x22: {  	[tilespmem:s17], [sflag:$0x1] =	stream.linear.gather [hbm4b:s6+s2], $0x10, $0x38;
	[tilespmem:$0x480] =	vst v63  }
0x23: {  	_ =	swait.ge [sflag:s13], $0x10  }
0x24: {  	[sflag:s13] =	ssyncset.done $0x0  }
0x25: {  	[sflag:s13] =	ssyncadd.s32 $0xFFFFFFF0  }
0x26: {  	[tilespmem:s18], [sflag:$0x1] =	stream.linear.gather [hbm4b:s7+s2], $0x10, $0x38;
	[tilespmem:$0x480] =	vst v63  }
0x27: {  	_ =	swait.ge [sflag:s13], $0x10  }
0x28: {  	[sflag:s13] =	ssyncset.done $0x0  }
0x29: {  	[sflag:s13] =	ssyncadd.s32 $0xFFFFFFF0  }
0x2a: {  	[tilespmem:s19], [sflag:$0x1] =	stream.linear.gather [hbm4b:s8+s2], $0x10, $0x38;
	[tilespmem:$0x480] =	vst v63  }
0x2b: {  	_ =	swait.ge [sflag:s13], $0x10  }
0x2c: {  	[sflag:s13] =	ssyncset.done $0x0  }
0x2d: {  	[sflag:s13] =	ssyncadd.s32 $0xFFFFFFF0  }
0x2e: {  	[tilespmem:s20], [sflag:$0x1] =	stream.linear.gather [hbm4b:s9+s2], $0x10, $0x38;
	[tilespmem:$0x480] =	vst v63  }
0x2f: {  	_ =	swait.ge [sflag:s13], $0x10  }
0x30: {  	[sflag:s13] =	ssyncset.done $0x0  }
0x31: {  	[sflag:s13] =	ssyncadd.s32 $0xFFFFFFF0  }
0x32: {  	v9 =	vld [tilespmem:$0x0]  }
0x33: {  	v10 =	vld [tilespmem:$0x80]  }
0x34: {  	v11 =	vld [tilespmem:$0x100]  }
0x35: {  	v12 =	vld [tilespmem:$0x180]  }
0x36: {  	v13 =	vld [tilespmem:$0x200]  }
0x37: {  	v14 =	vld [tilespmem:$0x280]  }
0x38: {  	v15 =	vld [tilespmem:$0x300];
	v16 =	vmax.f32 v9, v10  }
0x39: {  	v17 =	vld [tilespmem:$0x380];
	v16 =	vmax.f32 v16, v11  }
0x3a: {  	v16 =	vmax.f32 v16, v12  }
0x3b: {  	v16 =	vmax.f32 v16, v13  }
0x3c: {  	v16 =	vmax.f32 v16, v14  }
0x3d: {  	v16 =	vmax.f32 v16, v15  }
0x3e: {  	v16 =	vmax.f32 v16, v17  }
0x3f: {  	v9 =	vsub.f32 v9, v16  }
0x40: {  	v10 =	vsub.f32 v10, v16  }
0x41: {  	v9 =	vmul.f32 $1.442695020e+00, v9  }
0x42: {  	v11 =	vsub.f32 v11, v16;
	v10 =	vmul.f32 $1.442695020e+00, v10  }
0x43: {  	(erf) = vpow2.f32 v9  }
0x44: {  	v9 =	vmul.f32 $1.442695020e+00, v11;
	(erf) = vpow2.f32 v10;
	v10 =	vsub.f32 v12, v16;
	_ =	sdelay $0x1  }
0x45: {  	(erf) = vpow2.f32 v9;
	v9 =	vmul.f32 $1.442695020e+00, v10;
	v10 =	vsub.f32 v13, v16;
	_ =	sdelay $0x1  }
0x46: {  	(erf) = vpow2.f32 v9;
	v9 =	vmul.f32 $1.442695020e+00, v10;
	v10 =	vsub.f32 v14, v16;
	_ =	sdelay $0x1  }
0x47: {  	(erf) = vpow2.f32 v9;
	v9 =	vmul.f32 $1.442695020e+00, v10;
	v10 =	vsub.f32 v15, v16;
	_ =	sdelay $0x1  }
0x48: {  	v11 =	vpop (erf);
	(erf) = vpow2.f32 v9;
	v9 =	vmul.f32 $1.442695020e+00, v10;
	v10 =	vsub.f32 v17, v16  }
0x49: {  	v38 =	vpop (erf)  }
0x4a: {  	(erf) = vpow2.f32 v9;
	v9 =	vmul.f32 $1.442695020e+00, v10;
	v10 =	vadd.f32 v38, v11;
	_ =	sdelay $0x1  }
0x4b: {  	v39 =	vpop (erf)  }
0x4c: {  	(erf) = vpow2.f32 v9;
	v9 =	vadd.f32 v10, v39  }
0x4d: {  	v10 =	vpop (erf)  }
0x4e: {  	v9 =	vadd.f32 v9, v10  }
0x4f: {  	v40 =	vpop (erf)  }
0x50: {  	v9 =	vadd.f32 v9, v40  }
0x51: {  	v18 =	vpop (erf)  }
0x52: {  	v9 =	vadd.f32 v9, v18  }
0x53: {  	v19 =	vpop (erf)  }
0x54: {  	v9 =	vadd.f32 v9, v19  }
0x55: {  	v20 =	vpop (erf)  }
0x56: {  	v9 =	vadd.f32 v9, v20;
	_ =	sdelay $0x1  }
0x57: {  	(erf) = vrcp.f32 v9;
	_ =	sdelay $0x8  }
0x58: {  	v9 =	vpop (erf)  }
0x59: {  	v16 =	vmul.f32 v9, v11  }
0x5a: {  	v15 =	vmul.f32 v9, v38;
	v14 =	vmul.f32 v9, v39  }
0x5b: {  	v13 =	vmul.f32 v9, v10;
	v12 =	vmul.f32 v9, v40  }
0x5c: {  	v11 =	vmul.f32 v9, v18;
	v10 =	vmul.f32 v9, v19  }
0x5d: {  	v9 =	vmul.f32 v9, v20;
	vm0 =	vgt.f32 v15, v16;
	vm1 =	vgt.f32 v14, v16  }
0x5e: {  	vm14 =	vgt.f32 v13, v16;
	vm15 =	vgt.f32 v12, v16;
	vm4 =	vgt.f32 v11, v16  }
0x5f: {  	vm5 =	vgt.f32 v10, v16;
	vm6 =	vgt.f32 v9, v16;
	vm7 =	vge.f32 v16, v15  }
0x60: {  	vm8 =	vgt.f32 v14, v15;
	vm10 =	vgt.f32 v13, v15;
	vm11 =	vgt.f32 v12, v15  }
0x61: {  	vm12 =	vgt.f32 v11, v15;
	vm13 =	vgt.f32 v10, v15;
	v41 =	vsel vm0, $0x1, v1  }
0x62: {  	v42 =	vsel vm1, $0x1, v1;
	v43 =	vsel vm14, $0x1, v1;
	v44 =	vsel vm15, $0x1, v1  }
0x63: {  	v45 =	vsel vm4, $0x1, v1;
	v46 =	vsel vm5, $0x1, v1;
	v47 =	vsel vm6, $0x1, v1  }
0x64: {  	v48 =	vsel vm7, $0x1, v1;
	v49 =	vsel vm8, $0x1, v1;
	v50 =	vsel vm10, $0x1, v1  }
0x65: {  	v51 =	vsel vm11, $0x1, v1;
	v52 =	vsel vm12, $0x1, v1;
	v53 =	vsel vm13, $0x1, v1  }
0x66: {  	vm14 =	vgt.f32 v9, v15;
	vm15 =	vge.f32 v16, v14;
	vm4 =	vge.f32 v15, v14  }
0x67: {  	vm5 =	vgt.f32 v13, v14;
	vm6 =	vgt.f32 v12, v14;
	vm7 =	vgt.f32 v11, v14  }
0x68: {  	vm8 =	vgt.f32 v10, v14;
	vm11 =	vge.f32 v16, v13;
	vm12 =	vge.f32 v15, v13  }
0x69: {  	vm13 =	vge.f32 v14, v13;
	v17 =	vadd.s32 v42, v41;
	v54 =	vsel vm14, $0x1, v1  }
0x6a: {  	v55 =	vsel vm15, $0x1, v1;
	v56 =	vsel vm4, $0x1, v1;
	v57 =	vsel vm5, $0x1, v1  }
0x6b: {  	v58 =	vsel vm6, $0x1, v1;
	v59 =	vsel vm7, $0x1, v1;
	v60 =	vsel vm8, $0x1, v1  }
0x6c: {  	v28 =	vsel vm11, $0x1, v1;
	v21 =	vsel vm12, $0x1, v1;
	v22 =	vsel vm13, $0x1, v1  }
0x6d: {  	vm14 =	vgt.f32 v12, v13;
	vm4 =	vgt.f32 v11, v13;
	vm5 =	vgt.f32 v10, v13  }
0x6e: {  	vm6 =	vgt.f32 v9, v13;
	vm7 =	vge.f32 v16, v12;
	vm8 =	vge.f32 v15, v12  }
0x6f: {  	vm11 =	vgt.f32 v11, v12;
	vm12 =	vgt.f32 v10, v12;
	vm13 =	vgt.f32 v9, v12  }
0x70: {  	v17 =	vadd.s32 v43, v17;
	v18 =	vadd.s32 v56, v55;
	v29 =	vsel vm14, $0x1, v1  }
0x71: {  	v30 =	vsel vm4, $0x1, v1;
	v31 =	vsel vm5, $0x1, v1;
	v32 =	vsel vm6, $0x1, v1  }
0x72: {  	v33 =	vsel vm7, $0x1, v1;
	v34 =	vsel vm8, $0x1, v1;
	v37 =	vsel vm11, $0x1, v1  }
0x73: {  	v38 =	vsel vm12, $0x1, v1;
	v40 =	vsel vm13, $0x1, v1;
	vm4 =	vge.f32 v16, v11  }
0x74: {  	vm5 =	vge.f32 v15, v11;
	vm6 =	vge.f32 v14, v11;
	vm7 =	vge.f32 v13, v11  }
0x75: {  	vm8 =	vge.f32 v12, v11;
	vm11 =	vge.f32 v16, v10;
	vm12 =	vge.f32 v15, v10  }
0x76: {  	vm13 =	vge.f32 v14, v10;
	v17 =	vadd.s32 v44, v17;
	v18 =	vadd.s32 v57, v18  }
0x77: {  	v44 =	vsel vm4, $0x1, v1;
	v23 =	vsel vm5, $0x1, v1;
	v24 =	vsel vm6, $0x1, v1  }
0x78: {  	v25 =	vsel vm7, $0x1, v1;
	v26 =	vsel vm8, $0x1, v1;
	vm4 =	vge.f32 v11, v10  }
0x79: {  	vm5 =	vgt.f32 v9, v10;
	vm6 =	vge.f32 v16, v9;
	vm7 =	vge.f32 v15, v9  }
0x7a: {  	vm8 =	vge.f32 v14, v9;
	v17 =	vadd.s32 v45, v17;
	v18 =	vadd.s32 v58, v18  }
0x7b: {  	v45 =	vsel vm11, $0x1, v1;
	v55 =	vsel vm7, $0x1, v1;
	v57 =	vsel vm8, $0x1, v1  }
0x7c: {  	vm11 =	vge.f32 v11, v9;
	v17 =	vadd.s32 v46, v17;
	v18 =	vadd.s32 v59, v18  }
0x7d: {  	v46 =	vsel vm12, $0x1, v1;
	vm12 =	vge.f32 v10, v9;
	v17 =	vadd.s32 v47, v17  }
0x7e: {  	v61 =	vadd.s32 v60, v18;
	v18 =	vadd.s32 v21, v28;
	v21 =	vadd.s32 v34, v33  }
0x7f: {  	v47 =	vsel vm13, $0x1, v1;
	vm9 =	vlt.u32 v17, $0x2;
	v17 =	vadd.s32 v49, v48  }
0x80: {  	v18 =	vadd.s32 v22, v18;
	v17 =	vadd.s32 v50, v17;
	v19 =	vnsel vm9, $0x0, v16  }
0x81: {  	vm9 =	vgt.f32 v9, v14;
	v50 =	vsel vm4, $0x1, v1;
	v17 =	vadd.s32 v51, v17  }
0x82: {  	v62 =	vsel vm9, $0x1, v1;
	vm9 =	vge.f32 v14, v12;
	v51 =	vsel vm5, $0x1, v1  }
0x83: {  	v17 =	vadd.s32 v52, v17;
	v35 =	vsel vm9, $0x1, v1;
	vm9 =	vgt.f32 v10, v11  }
0x84: {  	v17 =	vadd.s32 v53, v17;
	v21 =	vadd.s32 v35, v21;
	v27 =	vsel vm9, $0x1, v1  }
0x85: {  	v53 =	vsel vm6, $0x1, v1;
	vm9 =	vge.f32 v13, v9;
	v17 =	vadd.s32 v54, v17  }
0x86: {  	v58 =	vadd.s32 v55, v53;
	v59 =	vsel vm9, $0x1, v1;
	vm10 =	vlt.u32 v17, $0x2  }
0x87: {  	v17 =	vadd.s32 v62, v61;
	v60 =	vadd.s32 v57, v58;
	v63 =	vnsel vm10, $0x0, v15  }
0x88: {  	vm15 =	vlt.u32 v17, $0x2;
	v17 =	vadd.s32 v29, v18;
	vm10 =	vge.f32 v13, v12  }
0x89: {  	[tilespmem:v0+s21+$0x0] =	vst.idx.msk $0xffff, v19;
	v62 =	vsel vm11, $0x1, v1;
	v17 =	vadd.s32 v30, v17;
	v36 =	vsel vm10, $0x1, v1  }
0x8a: {  	v41 =	vnsel vm15, $0x0, v14;
	vm10 =	vgt.f32 v9, v11;
	[tilespmem:v2+s21+$0x0] =	vst.idx.msk $0xffff, v63;
	v63 =	vsel vm12, $0x1, v1  }
0x8b: {  	v17 =	vadd.s32 v31, v17;
	v21 =	vadd.s32 v36, v21;
	v28 =	vsel vm10, $0x1, v1  }
0x8c: {  	vm10 =	vge.f32 v12, v9;
	v21 =	vadd.s32 v37, v21;
	v17 =	vadd.s32 v32, v17  }
0x8d: {  	v61 =	vsel vm10, $0x1, v1;
	v39 =	vadd.s32 v38, v21;
	vm14 =	vlt.u32 v17, $0x2  }
0x8e: {  	v21 =	vadd.s32 v23, v44;
	v23 =	vadd.s32 v46, v45;
	v42 =	vadd.s32 v40, v39  }
0x8f: {  	v43 =	vnsel vm14, $0x0, v13;
	v21 =	vadd.s32 v24, v21;
	vm14 =	vge.f32 v13, v10  }
0x90: {  	v52 =	vadd.s32 v47, v23;
	vm15 =	vlt.u32 v42, $0x2;
	v21 =	vadd.s32 v25, v21  }
0x91: {  	v48 =	vsel vm14, $0x1, v1;
	v17 =	vnsel vm15, $0x0, v12;
	vm15 =	vge.f32 v12, v10  }
0x92: {  	[tilespmem:v3+s21+$0x0] =	vst.idx.msk $0xffff, v41;
	v21 =	vadd.s32 v26, v21;
	v54 =	vadd.s32 v48, v52;
	v49 =	vsel vm15, $0x1, v1  }
0x93: {  	v12 =	vadd.s32 v59, v60;
	v21 =	vadd.s32 v27, v21;
	v56 =	vadd.s32 v49, v54  }
0x94: {  	v12 =	vadd.s32 v61, v12;
	v21 =	vadd.s32 v28, v21;
	v14 =	vadd.s32 v50, v56  }
0x95: {  	[tilespmem:v4+s21+$0x0] =	vst.idx.msk $0xffff, v43;
	v12 =	vadd.s32 v62, v12;
	vm13 =	vlt.u32 v21, $0x2;
	v14 =	vadd.s32 v51, v14  }
0x96: {  	[tilespmem:v5+s21+$0x0] =	vst.idx.msk $0xffff, v17;
	v12 =	vadd.s32 v63, v12;
	v11 =	vnsel vm13, $0x0, v11;
	vm14 =	vlt.u32 v14, $0x2  }
0x97: {  	vm15 =	vlt.u32 v12, $0x2;
	[tilespmem:v6+s21+$0x0] =	vst.idx.msk $0xffff, v11;
	v10 =	vnsel vm14, $0x0, v10  }
0x98: {  	p0 =	sne.s32 s12, $0x1;
	v9 =	vnsel vm15, $0x0, v9;
	[tilespmem:v7+s21+$0x0] =	vst.idx.msk $0xffff, v10  }
.Ltmp1:
0x99: {  	[tilespmem:v8+s21+$0x0] =	vst.idx.msk $0xffff, v9;
	(pc) =	sbr.rel @p0 .LBB2_2-.Ltmp1, $4  }
0x9a: {  	[hbm4b:s10+s2] =	stream.linear.scatter [tilespmem:s21], [sflag:$0x1], $0x80, $0x38;
	[tilespmem:$0x480] =	vst v63  }
0x9b: {  	_ =	swait.ge [sflag:s13], $0x80  }
0x9c: {  	[sflag:s13] =	ssyncset.done $0x0  }
0x9d: {  	s12 =	sadd.s32 $0xFFFFFFFF, s12;
	[sflag:s13] =	ssyncadd.s32 $0xFFFFFF80  }
.LBB2_3:
0x9e: {  	_ =	sfence.sel $0x180000  }
0x9f: {  	[bflag:$0x0] =	sbarrier.arrive $0xFFFF  }
0xa0: {  	p0 =	sne.s32 s1, $0x0;
	_ =	strace $0x90000047  }
0xa1: {  	s0 =	sadd.s32 @!p0 $0x100000, s0;
	[bflag:$0x2] =	sbarrier.arrive $0xFFFF  }
0xa2: {  	[sflag:s0] =	ssyncadd.tile.s32 @!p0 $0x1;
	_ =	shalt  }
.Lfunc_end2:
_tile_overlayer_lowered:
.L_overlay_start_2:
0xa3: {  	(tag) =	ssettag $0x2  }
0xa4: {  	s0 =	rddreg [dreg:$0x0];
	s2 =	stileid.u32  }
0xa5: {  	s1 =	rddreg [dreg:$0x1];
	p0 =	sne.s32 s2, $0x0  }
0xa6: {  	s3 =	rddreg [dreg:$0x2];
	[bflag:$0x3] =	sbarrier.arrive $0xFFFF;
	s2 =	simm.s32 @!p0 $0x1C01  }
0xa7: {  	[timem:s3], [sflag:s2] =	dma.local @!p0 [hbm:s0], s1  }
0xa8: {  	s0 =	simm.s32 @!p0 $0x1  }
0xa9: {  	_ =	swait.ge @!p0 [sflag:s0], s1  }
0xaa: {  	s1 =	ssub.s32 @!p0 $0x0, s1;
	[sflag:s0] =	ssyncset.done @!p0 $0x0  }
0xab: {  	[sflag:s0] =	ssyncadd.s32 @!p0 s1  }
0xac: {  	[bflag:$0x3] =	sbarrier.arrive $0xFFFF  }
0xad: {  	_ =	shalt  }

</sc_bundles>
